<compile_context>
chip_gen: v7x
topology: tpu7x:2x2x1
jax: 0.10.2.dev20260603
libtpu: 0.0.44.dev20260713+nightly
codegen_flags: <defaults>
</compile_context>

<pallas_src>
import functools

import jax
import jax.numpy as jnp
from jax import lax
from jax.experimental import pallas as pl
from jax.experimental.pallas import tpu as pltpu
from jax.experimental.pallas import tpu_sc as plsc

_N_FIELDS = 26
_VOCAB = 1000000
_BATCH = 16384
_NC = 2
_NS = 16
_L = 16
_NW = _NC * _NS
_BPW = _BATCH // _NW
_E = _BPW * _N_FIELDS

_mesh = plsc.VectorSubcoreMesh(
    core_axis_name="c", subcore_axis_name="s",
    num_cores=_NC, num_subcores=_NS)


@functools.partial(
    pl.kernel,
    out_type=jax.ShapeDtypeStruct((_BATCH,), jnp.float32),
    mesh=_mesh,
    scratch_types=[
        pltpu.VMEM((_E,), jnp.int32),
        pltpu.VMEM((_E,), jnp.float32),
        pltpu.VMEM((_N_FIELDS * _L,), jnp.float32),
        pltpu.VMEM((_L,), jnp.float32),
        pltpu.VMEM((_BPW,), jnp.float32),
        pltpu.SemaphoreType.DMA,
    ],
)
def _emb_lr(idxt_hbm, tab_hbm, wbc_hbm, bvec_hbm, out_hbm,
            idx_v, g_v, wbc_v, b_v, out_v, sem):
    wid = lax.axis_index("s") * _NC + lax.axis_index("c")
    base = wid * _BPW
    stage = [
        pltpu.async_copy(idxt_hbm.at[pl.ds(f * _BATCH + base, _BPW)],
                         idx_v.at[pl.ds(f * _BPW, _BPW)], sem)
        for f in range(_N_FIELDS)
    ]
    pltpu.sync_copy(wbc_hbm, wbc_v)
    pltpu.sync_copy(bvec_hbm, b_v)
    for d in stage:
        d.wait()

    def build(i, carry):
        f = i // (_BPW // _L)
        idx_v[pl.ds(i * _L, _L)] = (
            idx_v[pl.ds(i * _L, _L)] + f * _VOCAB)
        return carry
    lax.fori_loop(0, _E // _L, build, 0, unroll=8)

    nstream = 8
    chunk = _E // nstream
    gath = [
        pltpu.async_copy(tab_hbm.at[idx_v.at[pl.ds(g * chunk, chunk)]],
                         g_v.at[pl.ds(g * chunk, chunk)], sem)
        for g in range(nstream)
    ]
    for d in gath:
        d.wait()

    def accum(c, carry):
        acc = b_v[...]
        for f in range(_N_FIELDS):
            acc = acc + (g_v[pl.ds(f * _BPW + c * _L, _L)]
                         * wbc_v[pl.ds(f * _L, _L)])
        out_v[pl.ds(c * _L, _L)] = 1.0 / (1.0 + jnp.exp(-acc))
        return carry
    lax.fori_loop(0, _BPW // _L, accum, 0)

    pltpu.sync_copy(out_v, out_hbm.at[pl.ds(base, _BPW)])


def kernel(idx, tables, W, b):
    idxt = idx.T.reshape(_N_FIELDS * _BATCH)
    tab_flat = tables.reshape(_N_FIELDS * _VOCAB)
    wbc = jnp.repeat(W.reshape(_N_FIELDS, 1), _L, axis=1).reshape(-1)
    bvec = jnp.broadcast_to(b.reshape(1), (_L,))
    return _emb_lr(idxt, tab_flat, wbc, bvec)

# --- scband reference (transcript-rebuilt; emitter-appended) ---
"""Pipeline reference for scband-embedding-lr-65463891525956 (READ-ONLY COPY).

The authoritative reference and input builder live on the scoring server;
editing this copy changes nothing except your own understanding.
"""

import jax, jax.numpy as jnp
import numpy as np

N_FIELDS = 26
VOCAB = 1000000
BATCH = 16384


def setup_inputs(seed: int = 0) -> dict:
    key = jax.random.key(seed)
    # one index vector per field, packed as [BATCH, N_FIELDS]
    idx = jax.random.randint(key, (BATCH, N_FIELDS), 0, VOCAB, dtype=jnp.int32)
    # each field has its own nn.Embedding(vocab, 1) initialized to 1.0;
    # stacked into a single [N_FIELDS, VOCAB, 1] array (mathematically identical)
    tables = jnp.ones((N_FIELDS, VOCAB, 1), dtype=jnp.float32)
    # nn.Linear(26, 1): weight filled with 1.0 (frozen), bias filled with 0.0
    W = jnp.ones((1, N_FIELDS), dtype=jnp.float32)
    b = jnp.zeros((1,), dtype=jnp.float32)
    return {"idx": idx, "tables": tables, "W": W, "b": b}


def reference(idx, tables, W, b):
    emb_list = []
    for f in range(N_FIELDS):
        # embedding lookup: table[f][idx[:, f]] -> [BATCH, 1]
        emb = jnp.take(tables[f], idx[:, f], axis=0)
        emb_list.append(emb)
    x_emb = jnp.concatenate(emb_list, axis=1)  # [BATCH, N_FIELDS]
    logits = (x_emb @ W.T + b)[:, 0]           # squeeze(1)
    prob = jax.nn.sigmoid(logits)
    return prob

if __name__ == "__main__":
    import jax
    _d = setup_inputs()
    print(jax.jit(kernel)(*tuple(_d.values())))

</pallas_src>

<mosaic_0001>
#map = affine_map<(d0, d1) -> (0)>
module attributes {stable_mosaic.version = 14 : i64} {
  func.func @_emb_lr(%arg0: i32, %arg1: i32, %arg2: memref<425984xi32, #tpu.memory_space<hbm>>, %arg3: memref<26000000xf32, #tpu.memory_space<hbm>>, %arg4: memref<416xf32, #tpu.memory_space<hbm>>, %arg5: memref<16xf32, #tpu.memory_space<hbm>>, %arg6: memref<16384xf32, #tpu.memory_space<hbm>>, %arg7: memref<13312xi32, #tpu.memory_space<vmem>>, %arg8: memref<13312xf32, #tpu.memory_space<vmem>>, %arg9: memref<416xf32, #tpu.memory_space<vmem>>, %arg10: memref<16xf32, #tpu.memory_space<vmem>>, %arg11: memref<512xf32, #tpu.memory_space<vmem>>, %arg12: memref<!tpu.dma_semaphore, #tpu.memory_space<semaphore_mem>>) attributes {dimension_semantics = [#tpu.dimension_semantics<core_parallel>, #tpu.dimension_semantics<subcore_parallel>], iteration_bounds = array<i64: 2, 16>, scalar_prefetch = 0 : i64, scratch_operands = 6 : i64, tpu.core_type = #tpu.core_type<sc_vector_subcore>, window_params = [{transform_indices = #map}, {transform_indices = #map}, {transform_indices = #map}, {transform_indices = #map}, {transform_indices = #map}]} {
    %mul3A = arith.constant 2 : i32
    %mul3A_0 = arith.muli %arg1, %mul3A : i32
    %add3A = arith.addi %mul3A_0, %arg0 : i32
    %mul3A_1 = arith.constant 512 : i32
    %mul3A_2 = arith.muli %add3A, %mul3A_1 : i32
    %add3A_3 = arith.constant 0 : i32
    %add3A_4 = arith.addi %add3A_3, %mul3A_2 : i32
    %dma_start3A = arith.constant 0 : i32
    %dma_start3A_5 = tpu.memref_slice %arg7[%dma_start3A] : memref<13312xi32, #tpu.memory_space<vmem>> -> memref<512xi32, #tpu.memory_space<vmem>>
    %dma_start3A_6 = tpu.memref_slice %arg2[%add3A_4] : memref<425984xi32, #tpu.memory_space<hbm>> -> memref<512xi32, #tpu.memory_space<hbm>>
    %dma_start3A_7 = arith.constant 0 : i32
    %dma_start3A_8 = tpu.memref_slice %arg7[%dma_start3A_7] : memref<13312xi32, #tpu.memory_space<vmem>> -> memref<512xi32, #tpu.memory_space<vmem>>
    %dma_start3A_9 = tpu.memref_slice %arg2[%add3A_4] : memref<425984xi32, #tpu.memory_space<hbm>> -> memref<512xi32, #tpu.memory_space<hbm>>
    tpu.enqueue_dma source(%dma_start3A_9 : memref<512xi32, #tpu.memory_space<hbm>>) target(%dma_start3A_8 : memref<512xi32, #tpu.memory_space<vmem>>) target_semaphore(%arg12 : memref<!tpu.dma_semaphore, #tpu.memory_space<semaphore_mem>>)
    %add3A_10 = arith.constant 16384 : i32
    %add3A_11 = arith.addi %add3A_10, %mul3A_2 : i32
    %dma_start3A_12 = arith.constant 512 : i32
    %dma_start3A_13 = tpu.memref_slice %arg7[%dma_start3A_12] : memref<13312xi32, #tpu.memory_space<vmem>> -> memref<512xi32, #tpu.memory_space<vmem>>
    %dma_start3A_14 = tpu.memref_slice %arg2[%add3A_11] : memref<425984xi32, #tpu.memory_space<hbm>> -> memref<512xi32, #tpu.memory_space<hbm>>
    %dma_start3A_15 = arith.constant 512 : i32
    %dma_start3A_16 = tpu.memref_slice %arg7[%dma_start3A_15] : memref<13312xi32, #tpu.memory_space<vmem>> -> memref<512xi32, #tpu.memory_space<vmem>>
    %dma_start3A_17 = tpu.memref_slice %arg2[%add3A_11] : memref<425984xi32, #tpu.memory_space<hbm>> -> memref<512xi32, #tpu.memory_space<hbm>>
    tpu.enqueue_dma source(%dma_start3A_17 : memref<512xi32, #tpu.memory_space<hbm>>) target(%dma_start3A_16 : memref<512xi32, #tpu.memory_space<vmem>>) target_semaphore(%arg12 : memref<!tpu.dma_semaphore, #tpu.memory_space<semaphore_mem>>)
    %add3A_18 = arith.constant 32768 : i32
    %add3A_19 = arith.addi %add3A_18, %mul3A_2 : i32
    %dma_start3A_20 = arith.constant 1024 : i32
    %dma_start3A_21 = tpu.memref_slice %arg7[%dma_start3A_20] : memref<13312xi32, #tpu.memory_space<vmem>> -> memref<512xi32, #tpu.memory_space<vmem>>
    %dma_start3A_22 = tpu.memref_slice %arg2[%add3A_19] : memref<425984xi32, #tpu.memory_space<hbm>> -> memref<512xi32, #tpu.memory_space<hbm>>
    %dma_start3A_23 = arith.constant 1024 : i32
    %dma_start3A_24 = tpu.memref_slice %arg7[%dma_start3A_23] : memref<13312xi32, #tpu.memory_space<vmem>> -> memref<512xi32, #tpu.memory_space<vmem>>
    %dma_start3A_25 = tpu.memref_slice %arg2[%add3A_19] : memref<425984xi32, #tpu.memory_space<hbm>> -> memref<512xi32, #tpu.memory_space<hbm>>
    tpu.enqueue_dma source(%dma_start3A_25 : memref<512xi32, #tpu.memory_space<hbm>>) target(%dma_start3A_24 : memref<512xi32, #tpu.memory_space<vmem>>) target_semaphore(%arg12 : memref<!tpu.dma_semaphore, #tpu.memory_space<semaphore_mem>>)
    %add3A_26 = arith.constant 49152 : i32
    %add3A_27 = arith.addi %add3A_26, %mul3A_2 : i32
    %dma_start3A_28 = arith.constant 1536 : i32
    %dma_start3A_29 = tpu.memref_slice %arg7[%dma_start3A_28] : memref<13312xi32, #tpu.memory_space<vmem>> -> memref<512xi32, #tpu.memory_space<vmem>>
    %dma_start3A_30 = tpu.memref_slice %arg2[%add3A_27] : memref<425984xi32, #tpu.memory_space<hbm>> -> memref<512xi32, #tpu.memory_space<hbm>>
    %dma_start3A_31 = arith.constant 1536 : i32
    %dma_start3A_32 = tpu.memref_slice %arg7[%dma_start3A_31] : memref<13312xi32, #tpu.memory_space<vmem>> -> memref<512xi32, #tpu.memory_space<vmem>>
    %dma_start3A_33 = tpu.memref_slice %arg2[%add3A_27] : memref<425984xi32, #tpu.memory_space<hbm>> -> memref<512xi32, #tpu.memory_space<hbm>>
    tpu.enqueue_dma source(%dma_start3A_33 : memref<512xi32, #tpu.memory_space<hbm>>) target(%dma_start3A_32 : memref<512xi32, #tpu.memory_space<vmem>>) target_semaphore(%arg12 : memref<!tpu.dma_semaphore, #tpu.memory_space<semaphore_mem>>)
    %add3A_34 = arith.constant 65536 : i32
    %add3A_35 = arith.addi %add3A_34, %mul3A_2 : i32
    %dma_start3A_36 = arith.constant 2048 : i32
    %dma_start3A_37 = tpu.memref_slice %arg7[%dma_start3A_36] : memref<13312xi32, #tpu.memory_space<vmem>> -> memref<512xi32, #tpu.memory_space<vmem>>
    %dma_start3A_38 = tpu.memref_slice %arg2[%add3A_35] : memref<425984xi32, #tpu.memory_space<hbm>> -> memref<512xi32, #tpu.memory_space<hbm>>
    %dma_start3A_39 = arith.constant 2048 : i32
    %dma_start3A_40 = tpu.memref_slice %arg7[%dma_start3A_39] : memref<13312xi32, #tpu.memory_space<vmem>> -> memref<512xi32, #tpu.memory_space<vmem>>
    %dma_start3A_41 = tpu.memref_slice %arg2[%add3A_35] : memref<425984xi32, #tpu.memory_space<hbm>> -> memref<512xi32, #tpu.memory_space<hbm>>
    tpu.enqueue_dma source(%dma_start3A_41 : memref<512xi32, #tpu.memory_space<hbm>>) target(%dma_start3A_40 : memref<512xi32, #tpu.memory_space<vmem>>) target_semaphore(%arg12 : memref<!tpu.dma_semaphore, #tpu.memory_space<semaphore_mem>>)
    %add3A_42 = arith.constant 81920 : i32
    %add3A_43 = arith.addi %add3A_42, %mul3A_2 : i32
    %dma_start3A_44 = arith.constant 2560 : i32
    %dma_start3A_45 = tpu.memref_slice %arg7[%dma_start3A_44] : memref<13312xi32, #tpu.memory_space<vmem>> -> memref<512xi32, #tpu.memory_space<vmem>>
    %dma_start3A_46 = tpu.memref_slice %arg2[%add3A_43] : memref<425984xi32, #tpu.memory_space<hbm>> -> memref<512xi32, #tpu.memory_space<hbm>>
    %dma_start3A_47 = arith.constant 2560 : i32
    %dma_start3A_48 = tpu.memref_slice %arg7[%dma_start3A_47] : memref<13312xi32, #tpu.memory_space<vmem>> -> memref<512xi32, #tpu.memory_space<vmem>>
    %dma_start3A_49 = tpu.memref_slice %arg2[%add3A_43] : memref<425984xi32, #tpu.memory_space<hbm>> -> memref<512xi32, #tpu.memory_space<hbm>>
    tpu.enqueue_dma source(%dma_start3A_49 : memref<512xi32, #tpu.memory_space<hbm>>) target(%dma_start3A_48 : memref<512xi32, #tpu.memory_space<vmem>>) target_semaphore(%arg12 : memref<!tpu.dma_semaphore, #tpu.memory_space<semaphore_mem>>)
    %add3A_50 = arith.constant 98304 : i32
    %add3A_51 = arith.addi %add3A_50, %mul3A_2 : i32
    %dma_start3A_52 = arith.constant 3072 : i32
    %dma_start3A_53 = tpu.memref_slice %arg7[%dma_start3A_52] : memref<13312xi32, #tpu.memory_space<vmem>> -> memref<512xi32, #tpu.memory_space<vmem>>
    %dma_start3A_54 = tpu.memref_slice %arg2[%add3A_51] : memref<425984xi32, #tpu.memory_space<hbm>> -> memref<512xi32, #tpu.memory_space<hbm>>
    %dma_start3A_55 = arith.constant 3072 : i32
    %dma_start3A_56 = tpu.memref_slice %arg7[%dma_start3A_55] : memref<13312xi32, #tpu.memory_space<vmem>> -> memref<512xi32, #tpu.memory_space<vmem>>
    %dma_start3A_57 = tpu.memref_slice %arg2[%add3A_51] : memref<425984xi32, #tpu.memory_space<hbm>> -> memref<512xi32, #tpu.memory_space<hbm>>
    tpu.enqueue_dma source(%dma_start3A_57 : memref<512xi32, #tpu.memory_space<hbm>>) target(%dma_start3A_56 : memref<512xi32, #tpu.memory_space<vmem>>) target_semaphore(%arg12 : memref<!tpu.dma_semaphore, #tpu.memory_space<semaphore_mem>>)
    %add3A_58 = arith.constant 114688 : i32
    %add3A_59 = arith.addi %add3A_58, %mul3A_2 : i32
    %dma_start3A_60 = arith.constant 3584 : i32
    %dma_start3A_61 = tpu.memref_slice %arg7[%dma_start3A_60] : memref<13312xi32, #tpu.memory_space<vmem>> -> memref<512xi32, #tpu.memory_space<vmem>>
    %dma_start3A_62 = tpu.memref_slice %arg2[%add3A_59] : memref<425984xi32, #tpu.memory_space<hbm>> -> memref<512xi32, #tpu.memory_space<hbm>>
    %dma_start3A_63 = arith.constant 3584 : i32
    %dma_start3A_64 = tpu.memref_slice %arg7[%dma_start3A_63] : memref<13312xi32, #tpu.memory_space<vmem>> -> memref<512xi32, #tpu.memory_space<vmem>>
    %dma_start3A_65 = tpu.memref_slice %arg2[%add3A_59] : memref<425984xi32, #tpu.memory_space<hbm>> -> memref<512xi32, #tpu.memory_space<hbm>>
    tpu.enqueue_dma source(%dma_start3A_65 : memref<512xi32, #tpu.memory_space<hbm>>) target(%dma_start3A_64 : memref<512xi32, #tpu.memory_space<vmem>>) target_semaphore(%arg12 : memref<!tpu.dma_semaphore, #tpu.memory_space<semaphore_mem>>)
    %add3A_66 = arith.constant 131072 : i32
    %add3A_67 = arith.addi %add3A_66, %mul3A_2 : i32
    %dma_start3A_68 = arith.constant 4096 : i32
    %dma_start3A_69 = tpu.memref_slice %arg7[%dma_start3A_68] : memref<13312xi32, #tpu.memory_space<vmem>> -> memref<512xi32, #tpu.memory_space<vmem>>
    %dma_start3A_70 = tpu.memref_slice %arg2[%add3A_67] : memref<425984xi32, #tpu.memory_space<hbm>> -> memref<512xi32, #tpu.memory_space<hbm>>
    %dma_start3A_71 = arith.constant 4096 : i32
    %dma_start3A_72 = tpu.memref_slice %arg7[%dma_start3A_71] : memref<13312xi32, #tpu.memory_space<vmem>> -> memref<512xi32, #tpu.memory_space<vmem>>
    %dma_start3A_73 = tpu.memref_slice %arg2[%add3A_67] : memref<425984xi32, #tpu.memory_space<hbm>> -> memref<512xi32, #tpu.memory_space<hbm>>
    tpu.enqueue_dma source(%dma_start3A_73 : memref<512xi32, #tpu.memory_space<hbm>>) target(%dma_start3A_72 : memref<512xi32, #tpu.memory_space<vmem>>) target_semaphore(%arg12 : memref<!tpu.dma_semaphore, #tpu.memory_space<semaphore_mem>>)
    %add3A_74 = arith.constant 147456 : i32
    %add3A_75 = arith.addi %add3A_74, %mul3A_2 : i32
    %dma_start3A_76 = arith.constant 4608 : i32
    %dma_start3A_77 = tpu.memref_slice %arg7[%dma_start3A_76] : memref<13312xi32, #tpu.memory_space<vmem>> -> memref<512xi32, #tpu.memory_space<vmem>>
    %dma_start3A_78 = tpu.memref_slice %arg2[%add3A_75] : memref<425984xi32, #tpu.memory_space<hbm>> -> memref<512xi32, #tpu.memory_space<hbm>>
    %dma_start3A_79 = arith.constant 4608 : i32
    %dma_start3A_80 = tpu.memref_slice %arg7[%dma_start3A_79] : memref<13312xi32, #tpu.memory_space<vmem>> -> memref<512xi32, #tpu.memory_space<vmem>>
    %dma_start3A_81 = tpu.memref_slice %arg2[%add3A_75] : memref<425984xi32, #tpu.memory_space<hbm>> -> memref<512xi32, #tpu.memory_space<hbm>>
    tpu.enqueue_dma source(%dma_start3A_81 : memref<512xi32, #tpu.memory_space<hbm>>) target(%dma_start3A_80 : memref<512xi32, #tpu.memory_space<vmem>>) target_semaphore(%arg12 : memref<!tpu.dma_semaphore, #tpu.memory_space<semaphore_mem>>)
    %add3A_82 = arith.constant 163840 : i32
    %add3A_83 = arith.addi %add3A_82, %mul3A_2 : i32
    %dma_start3A_84 = arith.constant 5120 : i32
    %dma_start3A_85 = tpu.memref_slice %arg7[%dma_start3A_84] : memref<13312xi32, #tpu.memory_space<vmem>> -> memref<512xi32, #tpu.memory_space<vmem>>
    %dma_start3A_86 = tpu.memref_slice %arg2[%add3A_83] : memref<425984xi32, #tpu.memory_space<hbm>> -> memref<512xi32, #tpu.memory_space<hbm>>
    %dma_start3A_87 = arith.constant 5120 : i32
    %dma_start3A_88 = tpu.memref_slice %arg7[%dma_start3A_87] : memref<13312xi32, #tpu.memory_space<vmem>> -> memref<512xi32, #tpu.memory_space<vmem>>
    %dma_start3A_89 = tpu.memref_slice %arg2[%add3A_83] : memref<425984xi32, #tpu.memory_space<hbm>> -> memref<512xi32, #tpu.memory_space<hbm>>
    tpu.enqueue_dma source(%dma_start3A_89 : memref<512xi32, #tpu.memory_space<hbm>>) target(%dma_start3A_88 : memref<512xi32, #tpu.memory_space<vmem>>) target_semaphore(%arg12 : memref<!tpu.dma_semaphore, #tpu.memory_space<semaphore_mem>>)
    %add3A_90 = arith.constant 180224 : i32
    %add3A_91 = arith.addi %add3A_90, %mul3A_2 : i32
    %dma_start3A_92 = arith.constant 5632 : i32
    %dma_start3A_93 = tpu.memref_slice %arg7[%dma_start3A_92] : memref<13312xi32, #tpu.memory_space<vmem>> -> memref<512xi32, #tpu.memory_space<vmem>>
    %dma_start3A_94 = tpu.memref_slice %arg2[%add3A_91] : memref<425984xi32, #tpu.memory_space<hbm>> -> memref<512xi32, #tpu.memory_space<hbm>>
    %dma_start3A_95 = arith.constant 5632 : i32
    %dma_start3A_96 = tpu.memref_slice %arg7[%dma_start3A_95] : memref<13312xi32, #tpu.memory_space<vmem>> -> memref<512xi32, #tpu.memory_space<vmem>>
    %dma_start3A_97 = tpu.memref_slice %arg2[%add3A_91] : memref<425984xi32, #tpu.memory_space<hbm>> -> memref<512xi32, #tpu.memory_space<hbm>>
    tpu.enqueue_dma source(%dma_start3A_97 : memref<512xi32, #tpu.memory_space<hbm>>) target(%dma_start3A_96 : memref<512xi32, #tpu.memory_space<vmem>>) target_semaphore(%arg12 : memref<!tpu.dma_semaphore, #tpu.memory_space<semaphore_mem>>)
    %add3A_98 = arith.constant 196608 : i32
    %add3A_99 = arith.addi %add3A_98, %mul3A_2 : i32
    %dma_start3A_100 = arith.constant 6144 : i32
    %dma_start3A_101 = tpu.memref_slice %arg7[%dma_start3A_100] : memref<13312xi32, #tpu.memory_space<vmem>> -> memref<512xi32, #tpu.memory_space<vmem>>
    %dma_start3A_102 = tpu.memref_slice %arg2[%add3A_99] : memref<425984xi32, #tpu.memory_space<hbm>> -> memref<512xi32, #tpu.memory_space<hbm>>
    %dma_start3A_103 = arith.constant 6144 : i32
    %dma_start3A_104 = tpu.memref_slice %arg7[%dma_start3A_103] : memref<13312xi32, #tpu.memory_space<vmem>> -> memref<512xi32, #tpu.memory_space<vmem>>
    %dma_start3A_105 = tpu.memref_slice %arg2[%add3A_99] : memref<425984xi32, #tpu.memory_space<hbm>> -> memref<512xi32, #tpu.memory_space<hbm>>
    tpu.enqueue_dma source(%dma_start3A_105 : memref<512xi32, #tpu.memory_space<hbm>>) target(%dma_start3A_104 : memref<512xi32, #tpu.memory_space<vmem>>) target_semaphore(%arg12 : memref<!tpu.dma_semaphore, #tpu.memory_space<semaphore_mem>>)
    %add3A_106 = arith.constant 212992 : i32
    %add3A_107 = arith.addi %add3A_106, %mul3A_2 : i32
    %dma_start3A_108 = arith.constant 6656 : i32
    %dma_start3A_109 = tpu.memref_slice %arg7[%dma_start3A_108] : memref<13312xi32, #tpu.memory_space<vmem>> -> memref<512xi32, #tpu.memory_space<vmem>>
    %dma_start3A_110 = tpu.memref_slice %arg2[%add3A_107] : memref<425984xi32, #tpu.memory_space<hbm>> -> memref<512xi32, #tpu.memory_space<hbm>>
    %dma_start3A_111 = arith.constant 6656 : i32
    %dma_start3A_112 = tpu.memref_slice %arg7[%dma_start3A_111] : memref<13312xi32, #tpu.memory_space<vmem>> -> memref<512xi32, #tpu.memory_space<vmem>>
    %dma_start3A_113 = tpu.memref_slice %arg2[%add3A_107] : memref<425984xi32, #tpu.memory_space<hbm>> -> memref<512xi32, #tpu.memory_space<hbm>>
    tpu.enqueue_dma source(%dma_start3A_113 : memref<512xi32, #tpu.memory_space<hbm>>) target(%dma_start3A_112 : memref<512xi32, #tpu.memory_space<vmem>>) target_semaphore(%arg12 : memref<!tpu.dma_semaphore, #tpu.memory_space<semaphore_mem>>)
    %add3A_114 = arith.constant 229376 : i32
    %add3A_115 = arith.addi %add3A_114, %mul3A_2 : i32
    %dma_start3A_116 = arith.constant 7168 : i32
    %dma_start3A_117 = tpu.memref_slice %arg7[%dma_start3A_116] : memref<13312xi32, #tpu.memory_space<vmem>> -> memref<512xi32, #tpu.memory_space<vmem>>
    %dma_start3A_118 = tpu.memref_slice %arg2[%add3A_115] : memref<425984xi32, #tpu.memory_space<hbm>> -> memref<512xi32, #tpu.memory_space<hbm>>
    %dma_start3A_119 = arith.constant 7168 : i32
    %dma_start3A_120 = tpu.memref_slice %arg7[%dma_start3A_119] : memref<13312xi32, #tpu.memory_space<vmem>> -> memref<512xi32, #tpu.memory_space<vmem>>
    %dma_start3A_121 = tpu.memref_slice %arg2[%add3A_115] : memref<425984xi32, #tpu.memory_space<hbm>> -> memref<512xi32, #tpu.memory_space<hbm>>
    tpu.enqueue_dma source(%dma_start3A_121 : memref<512xi32, #tpu.memory_space<hbm>>) target(%dma_start3A_120 : memref<512xi32, #tpu.memory_space<vmem>>) target_semaphore(%arg12 : memref<!tpu.dma_semaphore, #tpu.memory_space<semaphore_mem>>)
    %add3A_122 = arith.constant 245760 : i32
    %add3A_123 = arith.addi %add3A_122, %mul3A_2 : i32
    %dma_start3A_124 = arith.constant 7680 : i32
    %dma_start3A_125 = tpu.memref_slice %arg7[%dma_start3A_124] : memref<13312xi32, #tpu.memory_space<vmem>> -> memref<512xi32, #tpu.memory_space<vmem>>
    %dma_start3A_126 = tpu.memref_slice %arg2[%add3A_123] : memref<425984xi32, #tpu.memory_space<hbm>> -> memref<512xi32, #tpu.memory_space<hbm>>
    %dma_start3A_127 = arith.constant 7680 : i32
    %dma_start3A_128 = tpu.memref_slice %arg7[%dma_start3A_127] : memref<13312xi32, #tpu.memory_space<vmem>> -> memref<512xi32, #tpu.memory_space<vmem>>
    %dma_start3A_129 = tpu.memref_slice %arg2[%add3A_123] : memref<425984xi32, #tpu.memory_space<hbm>> -> memref<512xi32, #tpu.memory_space<hbm>>
    tpu.enqueue_dma source(%dma_start3A_129 : memref<512xi32, #tpu.memory_space<hbm>>) target(%dma_start3A_128 : memref<512xi32, #tpu.memory_space<vmem>>) target_semaphore(%arg12 : memref<!tpu.dma_semaphore, #tpu.memory_space<semaphore_mem>>)
    %add3A_130 = arith.constant 262144 : i32
    %add3A_131 = arith.addi %add3A_130, %mul3A_2 : i32
    %dma_start3A_132 = arith.constant 8192 : i32
    %dma_start3A_133 = tpu.memref_slice %arg7[%dma_start3A_132] : memref<13312xi32, #tpu.memory_space<vmem>> -> memref<512xi32, #tpu.memory_space<vmem>>
    %dma_start3A_134 = tpu.memref_slice %arg2[%add3A_131] : memref<425984xi32, #tpu.memory_space<hbm>> -> memref<512xi32, #tpu.memory_space<hbm>>
    %dma_start3A_135 = arith.constant 8192 : i32
    %dma_start3A_136 = tpu.memref_slice %arg7[%dma_start3A_135] : memref<13312xi32, #tpu.memory_space<vmem>> -> memref<512xi32, #tpu.memory_space<vmem>>
    %dma_start3A_137 = tpu.memref_slice %arg2[%add3A_131] : memref<425984xi32, #tpu.memory_space<hbm>> -> memref<512xi32, #tpu.memory_space<hbm>>
    tpu.enqueue_dma source(%dma_start3A_137 : memref<512xi32, #tpu.memory_space<hbm>>) target(%dma_start3A_136 : memref<512xi32, #tpu.memory_space<vmem>>) target_semaphore(%arg12 : memref<!tpu.dma_semaphore, #tpu.memory_space<semaphore_mem>>)
    %add3A_138 = arith.constant 278528 : i32
    %add3A_139 = arith.addi %add3A_138, %mul3A_2 : i32
    %dma_start3A_140 = arith.constant 8704 : i32
    %dma_start3A_141 = tpu.memref_slice %arg7[%dma_start3A_140] : memref<13312xi32, #tpu.memory_space<vmem>> -> memref<512xi32, #tpu.memory_space<vmem>>
    %dma_start3A_142 = tpu.memref_slice %arg2[%add3A_139] : memref<425984xi32, #tpu.memory_space<hbm>> -> memref<512xi32, #tpu.memory_space<hbm>>
    %dma_start3A_143 = arith.constant 8704 : i32
    %dma_start3A_144 = tpu.memref_slice %arg7[%dma_start3A_143] : memref<13312xi32, #tpu.memory_space<vmem>> -> memref<512xi32, #tpu.memory_space<vmem>>
    %dma_start3A_145 = tpu.memref_slice %arg2[%add3A_139] : memref<425984xi32, #tpu.memory_space<hbm>> -> memref<512xi32, #tpu.memory_space<hbm>>
    tpu.enqueue_dma source(%dma_start3A_145 : memref<512xi32, #tpu.memory_space<hbm>>) target(%dma_start3A_144 : memref<512xi32, #tpu.memory_space<vmem>>) target_semaphore(%arg12 : memref<!tpu.dma_semaphore, #tpu.memory_space<semaphore_mem>>)
    %add3A_146 = arith.constant 294912 : i32
    %add3A_147 = arith.addi %add3A_146, %mul3A_2 : i32
    %dma_start3A_148 = arith.constant 9216 : i32
    %dma_start3A_149 = tpu.memref_slice %arg7[%dma_start3A_148] : memref<13312xi32, #tpu.memory_space<vmem>> -> memref<512xi32, #tpu.memory_space<vmem>>
    %dma_start3A_150 = tpu.memref_slice %arg2[%add3A_147] : memref<425984xi32, #tpu.memory_space<hbm>> -> memref<512xi32, #tpu.memory_space<hbm>>
    %dma_start3A_151 = arith.constant 9216 : i32
    %dma_start3A_152 = tpu.memref_slice %arg7[%dma_start3A_151] : memref<13312xi32, #tpu.memory_space<vmem>> -> memref<512xi32, #tpu.memory_space<vmem>>
    %dma_start3A_153 = tpu.memref_slice %arg2[%add3A_147] : memref<425984xi32, #tpu.memory_space<hbm>> -> memref<512xi32, #tpu.memory_space<hbm>>
    tpu.enqueue_dma source(%dma_start3A_153 : memref<512xi32, #tpu.memory_space<hbm>>) target(%dma_start3A_152 : memref<512xi32, #tpu.memory_space<vmem>>) target_semaphore(%arg12 : memref<!tpu.dma_semaphore, #tpu.memory_space<semaphore_mem>>)
    %add3A_154 = arith.constant 311296 : i32
    %add3A_155 = arith.addi %add3A_154, %mul3A_2 : i32
    %dma_start3A_156 = arith.constant 9728 : i32
    %dma_start3A_157 = tpu.memref_slice %arg7[%dma_start3A_156] : memref<13312xi32, #tpu.memory_space<vmem>> -> memref<512xi32, #tpu.memory_space<vmem>>
    %dma_start3A_158 = tpu.memref_slice %arg2[%add3A_155] : memref<425984xi32, #tpu.memory_space<hbm>> -> memref<512xi32, #tpu.memory_space<hbm>>
    %dma_start3A_159 = arith.constant 9728 : i32
    %dma_start3A_160 = tpu.memref_slice %arg7[%dma_start3A_159] : memref<13312xi32, #tpu.memory_space<vmem>> -> memref<512xi32, #tpu.memory_space<vmem>>
    %dma_start3A_161 = tpu.memref_slice %arg2[%add3A_155] : memref<425984xi32, #tpu.memory_space<hbm>> -> memref<512xi32, #tpu.memory_space<hbm>>
    tpu.enqueue_dma source(%dma_start3A_161 : memref<512xi32, #tpu.memory_space<hbm>>) target(%dma_start3A_160 : memref<512xi32, #tpu.memory_space<vmem>>) target_semaphore(%arg12 : memref<!tpu.dma_semaphore, #tpu.memory_space<semaphore_mem>>)
    %add3A_162 = arith.constant 327680 : i32
    %add3A_163 = arith.addi %add3A_162, %mul3A_2 : i32
    %dma_start3A_164 = arith.constant 10240 : i32
    %dma_start3A_165 = tpu.memref_slice %arg7[%dma_start3A_164] : memref<13312xi32, #tpu.memory_space<vmem>> -> memref<512xi32, #tpu.memory_space<vmem>>
    %dma_start3A_166 = tpu.memref_slice %arg2[%add3A_163] : memref<425984xi32, #tpu.memory_space<hbm>> -> memref<512xi32, #tpu.memory_space<hbm>>
    %dma_start3A_167 = arith.constant 10240 : i32
    %dma_start3A_168 = tpu.memref_slice %arg7[%dma_start3A_167] : memref<13312xi32, #tpu.memory_space<vmem>> -> memref<512xi32, #tpu.memory_space<vmem>>
    %dma_start3A_169 = tpu.memref_slice %arg2[%add3A_163] : memref<425984xi32, #tpu.memory_space<hbm>> -> memref<512xi32, #tpu.memory_space<hbm>>
    tpu.enqueue_dma source(%dma_start3A_169 : memref<512xi32, #tpu.memory_space<hbm>>) target(%dma_start3A_168 : memref<512xi32, #tpu.memory_space<vmem>>) target_semaphore(%arg12 : memref<!tpu.dma_semaphore, #tpu.memory_space<semaphore_mem>>)
    %add3A_170 = arith.constant 344064 : i32
    %add3A_171 = arith.addi %add3A_170, %mul3A_2 : i32
    %dma_start3A_172 = arith.constant 10752 : i32
    %dma_start3A_173 = tpu.memref_slice %arg7[%dma_start3A_172] : memref<13312xi32, #tpu.memory_space<vmem>> -> memref<512xi32, #tpu.memory_space<vmem>>
    %dma_start3A_174 = tpu.memref_slice %arg2[%add3A_171] : memref<425984xi32, #tpu.memory_space<hbm>> -> memref<512xi32, #tpu.memory_space<hbm>>
    %dma_start3A_175 = arith.constant 10752 : i32
    %dma_start3A_176 = tpu.memref_slice %arg7[%dma_start3A_175] : memref<13312xi32, #tpu.memory_space<vmem>> -> memref<512xi32, #tpu.memory_space<vmem>>
    %dma_start3A_177 = tpu.memref_slice %arg2[%add3A_171] : memref<425984xi32, #tpu.memory_space<hbm>> -> memref<512xi32, #tpu.memory_space<hbm>>
    tpu.enqueue_dma source(%dma_start3A_177 : memref<512xi32, #tpu.memory_space<hbm>>) target(%dma_start3A_176 : memref<512xi32, #tpu.memory_space<vmem>>) target_semaphore(%arg12 : memref<!tpu.dma_semaphore, #tpu.memory_space<semaphore_mem>>)
    %add3A_178 = arith.constant 360448 : i32
    %add3A_179 = arith.addi %add3A_178, %mul3A_2 : i32
    %dma_start3A_180 = arith.constant 11264 : i32
    %dma_start3A_181 = tpu.memref_slice %arg7[%dma_start3A_180] : memref<13312xi32, #tpu.memory_space<vmem>> -> memref<512xi32, #tpu.memory_space<vmem>>
    %dma_start3A_182 = tpu.memref_slice %arg2[%add3A_179] : memref<425984xi32, #tpu.memory_space<hbm>> -> memref<512xi32, #tpu.memory_space<hbm>>
    %dma_start3A_183 = arith.constant 11264 : i32
    %dma_start3A_184 = tpu.memref_slice %arg7[%dma_start3A_183] : memref<13312xi32, #tpu.memory_space<vmem>> -> memref<512xi32, #tpu.memory_space<vmem>>
    %dma_start3A_185 = tpu.memref_slice %arg2[%add3A_179] : memref<425984xi32, #tpu.memory_space<hbm>> -> memref<512xi32, #tpu.memory_space<hbm>>
    tpu.enqueue_dma source(%dma_start3A_185 : memref<512xi32, #tpu.memory_space<hbm>>) target(%dma_start3A_184 : memref<512xi32, #tpu.memory_space<vmem>>) target_semaphore(%arg12 : memref<!tpu.dma_semaphore, #tpu.memory_space<semaphore_mem>>)
    %add3A_186 = arith.constant 376832 : i32
    %add3A_187 = arith.addi %add3A_186, %mul3A_2 : i32
    %dma_start3A_188 = arith.constant 11776 : i32
    %dma_start3A_189 = tpu.memref_slice %arg7[%dma_start3A_188] : memref<13312xi32, #tpu.memory_space<vmem>> -> memref<512xi32, #tpu.memory_space<vmem>>
    %dma_start3A_190 = tpu.memref_slice %arg2[%add3A_187] : memref<425984xi32, #tpu.memory_space<hbm>> -> memref<512xi32, #tpu.memory_space<hbm>>
    %dma_start3A_191 = arith.constant 11776 : i32
    %dma_start3A_192 = tpu.memref_slice %arg7[%dma_start3A_191] : memref<13312xi32, #tpu.memory_space<vmem>> -> memref<512xi32, #tpu.memory_space<vmem>>
    %dma_start3A_193 = tpu.memref_slice %arg2[%add3A_187] : memref<425984xi32, #tpu.memory_space<hbm>> -> memref<512xi32, #tpu.memory_space<hbm>>
    tpu.enqueue_dma source(%dma_start3A_193 : memref<512xi32, #tpu.memory_space<hbm>>) target(%dma_start3A_192 : memref<512xi32, #tpu.memory_space<vmem>>) target_semaphore(%arg12 : memref<!tpu.dma_semaphore, #tpu.memory_space<semaphore_mem>>)
    %add3A_194 = arith.constant 393216 : i32
    %add3A_195 = arith.addi %add3A_194, %mul3A_2 : i32
    %dma_start3A_196 = arith.constant 12288 : i32
    %dma_start3A_197 = tpu.memref_slice %arg7[%dma_start3A_196] : memref<13312xi32, #tpu.memory_space<vmem>> -> memref<512xi32, #tpu.memory_space<vmem>>
    %dma_start3A_198 = tpu.memref_slice %arg2[%add3A_195] : memref<425984xi32, #tpu.memory_space<hbm>> -> memref<512xi32, #tpu.memory_space<hbm>>
    %dma_start3A_199 = arith.constant 12288 : i32
    %dma_start3A_200 = tpu.memref_slice %arg7[%dma_start3A_199] : memref<13312xi32, #tpu.memory_space<vmem>> -> memref<512xi32, #tpu.memory_space<vmem>>
    %dma_start3A_201 = tpu.memref_slice %arg2[%add3A_195] : memref<425984xi32, #tpu.memory_space<hbm>> -> memref<512xi32, #tpu.memory_space<hbm>>
    tpu.enqueue_dma source(%dma_start3A_201 : memref<512xi32, #tpu.memory_space<hbm>>) target(%dma_start3A_200 : memref<512xi32, #tpu.memory_space<vmem>>) target_semaphore(%arg12 : memref<!tpu.dma_semaphore, #tpu.memory_space<semaphore_mem>>)
    %add3A_202 = arith.constant 409600 : i32
    %add3A_203 = arith.addi %add3A_202, %mul3A_2 : i32
    %dma_start3A_204 = arith.constant 12800 : i32
    %dma_start3A_205 = tpu.memref_slice %arg7[%dma_start3A_204] : memref<13312xi32, #tpu.memory_space<vmem>> -> memref<512xi32, #tpu.memory_space<vmem>>
    %dma_start3A_206 = tpu.memref_slice %arg2[%add3A_203] : memref<425984xi32, #tpu.memory_space<hbm>> -> memref<512xi32, #tpu.memory_space<hbm>>
    %dma_start3A_207 = arith.constant 12800 : i32
    %dma_start3A_208 = tpu.memref_slice %arg7[%dma_start3A_207] : memref<13312xi32, #tpu.memory_space<vmem>> -> memref<512xi32, #tpu.memory_space<vmem>>
    %dma_start3A_209 = tpu.memref_slice %arg2[%add3A_203] : memref<425984xi32, #tpu.memory_space<hbm>> -> memref<512xi32, #tpu.memory_space<hbm>>
    tpu.enqueue_dma source(%dma_start3A_209 : memref<512xi32, #tpu.memory_space<hbm>>) target(%dma_start3A_208 : memref<512xi32, #tpu.memory_space<vmem>>) target_semaphore(%arg12 : memref<!tpu.dma_semaphore, #tpu.memory_space<semaphore_mem>>)
    "tpu.region"() ({
      %run_scoped3A = tpu.sem_alloc : memref<!tpu.dma_semaphore, #tpu.memory_space<semaphore_mem>>
      tpu.enqueue_dma source(%arg4 : memref<416xf32, #tpu.memory_space<hbm>>) target(%arg9 : memref<416xf32, #tpu.memory_space<vmem>>) target_semaphore(%run_scoped3A : memref<!tpu.dma_semaphore, #tpu.memory_space<semaphore_mem>>)
      tpu.wait_dma2 semaphore(%run_scoped3A : memref<!tpu.dma_semaphore, #tpu.memory_space<semaphore_mem>>) src(%arg4 : memref<416xf32, #tpu.memory_space<hbm>>) dst(%arg9 : memref<416xf32, #tpu.memory_space<vmem>>)
      tpu.yield
    }) : () -> ()
    "tpu.region"() ({
      %run_scoped3A = tpu.sem_alloc : memref<!tpu.dma_semaphore, #tpu.memory_space<semaphore_mem>>
      tpu.enqueue_dma source(%arg5 : memref<16xf32, #tpu.memory_space<hbm>>) target(%arg10 : memref<16xf32, #tpu.memory_space<vmem>>) target_semaphore(%run_scoped3A : memref<!tpu.dma_semaphore, #tpu.memory_space<semaphore_mem>>)
      tpu.wait_dma2 semaphore(%run_scoped3A : memref<!tpu.dma_semaphore, #tpu.memory_space<semaphore_mem>>) src(%arg5 : memref<16xf32, #tpu.memory_space<hbm>>) dst(%arg10 : memref<16xf32, #tpu.memory_space<vmem>>)
      tpu.yield
    }) : () -> ()
    %dma_wait3A = arith.constant 0 : i32
    %dma_wait3A_210 = tpu.memref_slice %arg7[%dma_wait3A] : memref<13312xi32, #tpu.memory_space<vmem>> -> memref<512xi32, #tpu.memory_space<vmem>>
    %dma_wait3A_211 = tpu.memref_slice %arg2[%add3A_4] : memref<425984xi32, #tpu.memory_space<hbm>> -> memref<512xi32, #tpu.memory_space<hbm>>
    %dma_wait3A_212 = arith.constant 0 : i32
    %dma_wait3A_213 = tpu.memref_slice %arg7[%dma_wait3A_212] : memref<13312xi32, #tpu.memory_space<vmem>> -> memref<512xi32, #tpu.memory_space<vmem>>
    %dma_wait3A_214 = tpu.memref_slice %arg2[%add3A_4] : memref<425984xi32, #tpu.memory_space<hbm>> -> memref<512xi32, #tpu.memory_space<hbm>>
    tpu.wait_dma2 semaphore(%arg12 : memref<!tpu.dma_semaphore, #tpu.memory_space<semaphore_mem>>) src(%dma_wait3A_214 : memref<512xi32, #tpu.memory_space<hbm>>) dst(%dma_wait3A_213 : memref<512xi32, #tpu.memory_space<vmem>>)
    %dma_wait3A_215 = arith.constant 512 : i32
    %dma_wait3A_216 = tpu.memref_slice %arg7[%dma_wait3A_215] : memref<13312xi32, #tpu.memory_space<vmem>> -> memref<512xi32, #tpu.memory_space<vmem>>
    %dma_wait3A_217 = tpu.memref_slice %arg2[%add3A_11] : memref<425984xi32, #tpu.memory_space<hbm>> -> memref<512xi32, #tpu.memory_space<hbm>>
    %dma_wait3A_218 = arith.constant 512 : i32
    %dma_wait3A_219 = tpu.memref_slice %arg7[%dma_wait3A_218] : memref<13312xi32, #tpu.memory_space<vmem>> -> memref<512xi32, #tpu.memory_space<vmem>>
    %dma_wait3A_220 = tpu.memref_slice %arg2[%add3A_11] : memref<425984xi32, #tpu.memory_space<hbm>> -> memref<512xi32, #tpu.memory_space<hbm>>
    tpu.wait_dma2 semaphore(%arg12 : memref<!tpu.dma_semaphore, #tpu.memory_space<semaphore_mem>>) src(%dma_wait3A_220 : memref<512xi32, #tpu.memory_space<hbm>>) dst(%dma_wait3A_219 : memref<512xi32, #tpu.memory_space<vmem>>)
    %dma_wait3A_221 = arith.constant 1024 : i32
    %dma_wait3A_222 = tpu.memref_slice %arg7[%dma_wait3A_221] : memref<13312xi32, #tpu.memory_space<vmem>> -> memref<512xi32, #tpu.memory_space<vmem>>
    %dma_wait3A_223 = tpu.memref_slice %arg2[%add3A_19] : memref<425984xi32, #tpu.memory_space<hbm>> -> memref<512xi32, #tpu.memory_space<hbm>>
    %dma_wait3A_224 = arith.constant 1024 : i32
    %dma_wait3A_225 = tpu.memref_slice %arg7[%dma_wait3A_224] : memref<13312xi32, #tpu.memory_space<vmem>> -> memref<512xi32, #tpu.memory_space<vmem>>
    %dma_wait3A_226 = tpu.memref_slice %arg2[%add3A_19] : memref<425984xi32, #tpu.memory_space<hbm>> -> memref<512xi32, #tpu.memory_space<hbm>>
    tpu.wait_dma2 semaphore(%arg12 : memref<!tpu.dma_semaphore, #tpu.memory_space<semaphore_mem>>) src(%dma_wait3A_226 : memref<512xi32, #tpu.memory_space<hbm>>) dst(%dma_wait3A_225 : memref<512xi32, #tpu.memory_space<vmem>>)
    %dma_wait3A_227 = arith.constant 1536 : i32
    %dma_wait3A_228 = tpu.memref_slice %arg7[%dma_wait3A_227] : memref<13312xi32, #tpu.memory_space<vmem>> -> memref<512xi32, #tpu.memory_space<vmem>>
    %dma_wait3A_229 = tpu.memref_slice %arg2[%add3A_27] : memref<425984xi32, #tpu.memory_space<hbm>> -> memref<512xi32, #tpu.memory_space<hbm>>
    %dma_wait3A_230 = arith.constant 1536 : i32
    %dma_wait3A_231 = tpu.memref_slice %arg7[%dma_wait3A_230] : memref<13312xi32, #tpu.memory_space<vmem>> -> memref<512xi32, #tpu.memory_space<vmem>>
    %dma_wait3A_232 = tpu.memref_slice %arg2[%add3A_27] : memref<425984xi32, #tpu.memory_space<hbm>> -> memref<512xi32, #tpu.memory_space<hbm>>
    tpu.wait_dma2 semaphore(%arg12 : memref<!tpu.dma_semaphore, #tpu.memory_space<semaphore_mem>>) src(%dma_wait3A_232 : memref<512xi32, #tpu.memory_space<hbm>>) dst(%dma_wait3A_231 : memref<512xi32, #tpu.memory_space<vmem>>)
    %dma_wait3A_233 = arith.constant 2048 : i32
    %dma_wait3A_234 = tpu.memref_slice %arg7[%dma_wait3A_233] : memref<13312xi32, #tpu.memory_space<vmem>> -> memref<512xi32, #tpu.memory_space<vmem>>
    %dma_wait3A_235 = tpu.memref_slice %arg2[%add3A_35] : memref<425984xi32, #tpu.memory_space<hbm>> -> memref<512xi32, #tpu.memory_space<hbm>>
    %dma_wait3A_236 = arith.constant 2048 : i32
    %dma_wait3A_237 = tpu.memref_slice %arg7[%dma_wait3A_236] : memref<13312xi32, #tpu.memory_space<vmem>> -> memref<512xi32, #tpu.memory_space<vmem>>
    %dma_wait3A_238 = tpu.memref_slice %arg2[%add3A_35] : memref<425984xi32, #tpu.memory_space<hbm>> -> memref<512xi32, #tpu.memory_space<hbm>>
    tpu.wait_dma2 semaphore(%arg12 : memref<!tpu.dma_semaphore, #tpu.memory_space<semaphore_mem>>) src(%dma_wait3A_238 : memref<512xi32, #tpu.memory_space<hbm>>) dst(%dma_wait3A_237 : memref<512xi32, #tpu.memory_space<vmem>>)
    %dma_wait3A_239 = arith.constant 2560 : i32
    %dma_wait3A_240 = tpu.memref_slice %arg7[%dma_wait3A_239] : memref<13312xi32, #tpu.memory_space<vmem>> -> memref<512xi32, #tpu.memory_space<vmem>>
    %dma_wait3A_241 = tpu.memref_slice %arg2[%add3A_43] : memref<425984xi32, #tpu.memory_space<hbm>> -> memref<512xi32, #tpu.memory_space<hbm>>
    %dma_wait3A_242 = arith.constant 2560 : i32
    %dma_wait3A_243 = tpu.memref_slice %arg7[%dma_wait3A_242] : memref<13312xi32, #tpu.memory_space<vmem>> -> memref<512xi32, #tpu.memory_space<vmem>>
    %dma_wait3A_244 = tpu.memref_slice %arg2[%add3A_43] : memref<425984xi32, #tpu.memory_space<hbm>> -> memref<512xi32, #tpu.memory_space<hbm>>
    tpu.wait_dma2 semaphore(%arg12 : memref<!tpu.dma_semaphore, #tpu.memory_space<semaphore_mem>>) src(%dma_wait3A_244 : memref<512xi32, #tpu.memory_space<hbm>>) dst(%dma_wait3A_243 : memref<512xi32, #tpu.memory_space<vmem>>)
    %dma_wait3A_245 = arith.constant 3072 : i32
    %dma_wait3A_246 = tpu.memref_slice %arg7[%dma_wait3A_245] : memref<13312xi32, #tpu.memory_space<vmem>> -> memref<512xi32, #tpu.memory_space<vmem>>
    %dma_wait3A_247 = tpu.memref_slice %arg2[%add3A_51] : memref<425984xi32, #tpu.memory_space<hbm>> -> memref<512xi32, #tpu.memory_space<hbm>>
    %dma_wait3A_248 = arith.constant 3072 : i32
    %dma_wait3A_249 = tpu.memref_slice %arg7[%dma_wait3A_248] : memref<13312xi32, #tpu.memory_space<vmem>> -> memref<512xi32, #tpu.memory_space<vmem>>
    %dma_wait3A_250 = tpu.memref_slice %arg2[%add3A_51] : memref<425984xi32, #tpu.memory_space<hbm>> -> memref<512xi32, #tpu.memory_space<hbm>>
    tpu.wait_dma2 semaphore(%arg12 : memref<!tpu.dma_semaphore, #tpu.memory_space<semaphore_mem>>) src(%dma_wait3A_250 : memref<512xi32, #tpu.memory_space<hbm>>) dst(%dma_wait3A_249 : memref<512xi32, #tpu.memory_space<vmem>>)
    %dma_wait3A_251 = arith.constant 3584 : i32
    %dma_wait3A_252 = tpu.memref_slice %arg7[%dma_wait3A_251] : memref<13312xi32, #tpu.memory_space<vmem>> -> memref<512xi32, #tpu.memory_space<vmem>>
    %dma_wait3A_253 = tpu.memref_slice %arg2[%add3A_59] : memref<425984xi32, #tpu.memory_space<hbm>> -> memref<512xi32, #tpu.memory_space<hbm>>
    %dma_wait3A_254 = arith.constant 3584 : i32
    %dma_wait3A_255 = tpu.memref_slice %arg7[%dma_wait3A_254] : memref<13312xi32, #tpu.memory_space<vmem>> -> memref<512xi32, #tpu.memory_space<vmem>>
    %dma_wait3A_256 = tpu.memref_slice %arg2[%add3A_59] : memref<425984xi32, #tpu.memory_space<hbm>> -> memref<512xi32, #tpu.memory_space<hbm>>
    tpu.wait_dma2 semaphore(%arg12 : memref<!tpu.dma_semaphore, #tpu.memory_space<semaphore_mem>>) src(%dma_wait3A_256 : memref<512xi32, #tpu.memory_space<hbm>>) dst(%dma_wait3A_255 : memref<512xi32, #tpu.memory_space<vmem>>)
    %dma_wait3A_257 = arith.constant 4096 : i32
    %dma_wait3A_258 = tpu.memref_slice %arg7[%dma_wait3A_257] : memref<13312xi32, #tpu.memory_space<vmem>> -> memref<512xi32, #tpu.memory_space<vmem>>
    %dma_wait3A_259 = tpu.memref_slice %arg2[%add3A_67] : memref<425984xi32, #tpu.memory_space<hbm>> -> memref<512xi32, #tpu.memory_space<hbm>>
    %dma_wait3A_260 = arith.constant 4096 : i32
    %dma_wait3A_261 = tpu.memref_slice %arg7[%dma_wait3A_260] : memref<13312xi32, #tpu.memory_space<vmem>> -> memref<512xi32, #tpu.memory_space<vmem>>
    %dma_wait3A_262 = tpu.memref_slice %arg2[%add3A_67] : memref<425984xi32, #tpu.memory_space<hbm>> -> memref<512xi32, #tpu.memory_space<hbm>>
    tpu.wait_dma2 semaphore(%arg12 : memref<!tpu.dma_semaphore, #tpu.memory_space<semaphore_mem>>) src(%dma_wait3A_262 : memref<512xi32, #tpu.memory_space<hbm>>) dst(%dma_wait3A_261 : memref<512xi32, #tpu.memory_space<vmem>>)
    %dma_wait3A_263 = arith.constant 4608 : i32
    %dma_wait3A_264 = tpu.memref_slice %arg7[%dma_wait3A_263] : memref<13312xi32, #tpu.memory_space<vmem>> -> memref<512xi32, #tpu.memory_space<vmem>>
    %dma_wait3A_265 = tpu.memref_slice %arg2[%add3A_75] : memref<425984xi32, #tpu.memory_space<hbm>> -> memref<512xi32, #tpu.memory_space<hbm>>
    %dma_wait3A_266 = arith.constant 4608 : i32
    %dma_wait3A_267 = tpu.memref_slice %arg7[%dma_wait3A_266] : memref<13312xi32, #tpu.memory_space<vmem>> -> memref<512xi32, #tpu.memory_space<vmem>>
    %dma_wait3A_268 = tpu.memref_slice %arg2[%add3A_75] : memref<425984xi32, #tpu.memory_space<hbm>> -> memref<512xi32, #tpu.memory_space<hbm>>
    tpu.wait_dma2 semaphore(%arg12 : memref<!tpu.dma_semaphore, #tpu.memory_space<semaphore_mem>>) src(%dma_wait3A_268 : memref<512xi32, #tpu.memory_space<hbm>>) dst(%dma_wait3A_267 : memref<512xi32, #tpu.memory_space<vmem>>)
    %dma_wait3A_269 = arith.constant 5120 : i32
    %dma_wait3A_270 = tpu.memref_slice %arg7[%dma_wait3A_269] : memref<13312xi32, #tpu.memory_space<vmem>> -> memref<512xi32, #tpu.memory_space<vmem>>
    %dma_wait3A_271 = tpu.memref_slice %arg2[%add3A_83] : memref<425984xi32, #tpu.memory_space<hbm>> -> memref<512xi32, #tpu.memory_space<hbm>>
    %dma_wait3A_272 = arith.constant 5120 : i32
    %dma_wait3A_273 = tpu.memref_slice %arg7[%dma_wait3A_272] : memref<13312xi32, #tpu.memory_space<vmem>> -> memref<512xi32, #tpu.memory_space<vmem>>
    %dma_wait3A_274 = tpu.memref_slice %arg2[%add3A_83] : memref<425984xi32, #tpu.memory_space<hbm>> -> memref<512xi32, #tpu.memory_space<hbm>>
    tpu.wait_dma2 semaphore(%arg12 : memref<!tpu.dma_semaphore, #tpu.memory_space<semaphore_mem>>) src(%dma_wait3A_274 : memref<512xi32, #tpu.memory_space<hbm>>) dst(%dma_wait3A_273 : memref<512xi32, #tpu.memory_space<vmem>>)
    %dma_wait3A_275 = arith.constant 5632 : i32
    %dma_wait3A_276 = tpu.memref_slice %arg7[%dma_wait3A_275] : memref<13312xi32, #tpu.memory_space<vmem>> -> memref<512xi32, #tpu.memory_space<vmem>>
    %dma_wait3A_277 = tpu.memref_slice %arg2[%add3A_91] : memref<425984xi32, #tpu.memory_space<hbm>> -> memref<512xi32, #tpu.memory_space<hbm>>
    %dma_wait3A_278 = arith.constant 5632 : i32
    %dma_wait3A_279 = tpu.memref_slice %arg7[%dma_wait3A_278] : memref<13312xi32, #tpu.memory_space<vmem>> -> memref<512xi32, #tpu.memory_space<vmem>>
    %dma_wait3A_280 = tpu.memref_slice %arg2[%add3A_91] : memref<425984xi32, #tpu.memory_space<hbm>> -> memref<512xi32, #tpu.memory_space<hbm>>
    tpu.wait_dma2 semaphore(%arg12 : memref<!tpu.dma_semaphore, #tpu.memory_space<semaphore_mem>>) src(%dma_wait3A_280 : memref<512xi32, #tpu.memory_space<hbm>>) dst(%dma_wait3A_279 : memref<512xi32, #tpu.memory_space<vmem>>)
    %dma_wait3A_281 = arith.constant 6144 : i32
    %dma_wait3A_282 = tpu.memref_slice %arg7[%dma_wait3A_281] : memref<13312xi32, #tpu.memory_space<vmem>> -> memref<512xi32, #tpu.memory_space<vmem>>
    %dma_wait3A_283 = tpu.memref_slice %arg2[%add3A_99] : memref<425984xi32, #tpu.memory_space<hbm>> -> memref<512xi32, #tpu.memory_space<hbm>>
    %dma_wait3A_284 = arith.constant 6144 : i32
    %dma_wait3A_285 = tpu.memref_slice %arg7[%dma_wait3A_284] : memref<13312xi32, #tpu.memory_space<vmem>> -> memref<512xi32, #tpu.memory_space<vmem>>
    %dma_wait3A_286 = tpu.memref_slice %arg2[%add3A_99] : memref<425984xi32, #tpu.memory_space<hbm>> -> memref<512xi32, #tpu.memory_space<hbm>>
    tpu.wait_dma2 semaphore(%arg12 : memref<!tpu.dma_semaphore, #tpu.memory_space<semaphore_mem>>) src(%dma_wait3A_286 : memref<512xi32, #tpu.memory_space<hbm>>) dst(%dma_wait3A_285 : memref<512xi32, #tpu.memory_space<vmem>>)
    %dma_wait3A_287 = arith.constant 6656 : i32
    %dma_wait3A_288 = tpu.memref_slice %arg7[%dma_wait3A_287] : memref<13312xi32, #tpu.memory_space<vmem>> -> memref<512xi32, #tpu.memory_space<vmem>>
    %dma_wait3A_289 = tpu.memref_slice %arg2[%add3A_107] : memref<425984xi32, #tpu.memory_space<hbm>> -> memref<512xi32, #tpu.memory_space<hbm>>
    %dma_wait3A_290 = arith.constant 6656 : i32
    %dma_wait3A_291 = tpu.memref_slice %arg7[%dma_wait3A_290] : memref<13312xi32, #tpu.memory_space<vmem>> -> memref<512xi32, #tpu.memory_space<vmem>>
    %dma_wait3A_292 = tpu.memref_slice %arg2[%add3A_107] : memref<425984xi32, #tpu.memory_space<hbm>> -> memref<512xi32, #tpu.memory_space<hbm>>
    tpu.wait_dma2 semaphore(%arg12 : memref<!tpu.dma_semaphore, #tpu.memory_space<semaphore_mem>>) src(%dma_wait3A_292 : memref<512xi32, #tpu.memory_space<hbm>>) dst(%dma_wait3A_291 : memref<512xi32, #tpu.memory_space<vmem>>)
    %dma_wait3A_293 = arith.constant 7168 : i32
    %dma_wait3A_294 = tpu.memref_slice %arg7[%dma_wait3A_293] : memref<13312xi32, #tpu.memory_space<vmem>> -> memref<512xi32, #tpu.memory_space<vmem>>
    %dma_wait3A_295 = tpu.memref_slice %arg2[%add3A_115] : memref<425984xi32, #tpu.memory_space<hbm>> -> memref<512xi32, #tpu.memory_space<hbm>>
    %dma_wait3A_296 = arith.constant 7168 : i32
    %dma_wait3A_297 = tpu.memref_slice %arg7[%dma_wait3A_296] : memref<13312xi32, #tpu.memory_space<vmem>> -> memref<512xi32, #tpu.memory_space<vmem>>
    %dma_wait3A_298 = tpu.memref_slice %arg2[%add3A_115] : memref<425984xi32, #tpu.memory_space<hbm>> -> memref<512xi32, #tpu.memory_space<hbm>>
    tpu.wait_dma2 semaphore(%arg12 : memref<!tpu.dma_semaphore, #tpu.memory_space<semaphore_mem>>) src(%dma_wait3A_298 : memref<512xi32, #tpu.memory_space<hbm>>) dst(%dma_wait3A_297 : memref<512xi32, #tpu.memory_space<vmem>>)
    %dma_wait3A_299 = arith.constant 7680 : i32
    %dma_wait3A_300 = tpu.memref_slice %arg7[%dma_wait3A_299] : memref<13312xi32, #tpu.memory_space<vmem>> -> memref<512xi32, #tpu.memory_space<vmem>>
    %dma_wait3A_301 = tpu.memref_slice %arg2[%add3A_123] : memref<425984xi32, #tpu.memory_space<hbm>> -> memref<512xi32, #tpu.memory_space<hbm>>
    %dma_wait3A_302 = arith.constant 7680 : i32
    %dma_wait3A_303 = tpu.memref_slice %arg7[%dma_wait3A_302] : memref<13312xi32, #tpu.memory_space<vmem>> -> memref<512xi32, #tpu.memory_space<vmem>>
    %dma_wait3A_304 = tpu.memref_slice %arg2[%add3A_123] : memref<425984xi32, #tpu.memory_space<hbm>> -> memref<512xi32, #tpu.memory_space<hbm>>
    tpu.wait_dma2 semaphore(%arg12 : memref<!tpu.dma_semaphore, #tpu.memory_space<semaphore_mem>>) src(%dma_wait3A_304 : memref<512xi32, #tpu.memory_space<hbm>>) dst(%dma_wait3A_303 : memref<512xi32, #tpu.memory_space<vmem>>)
    %dma_wait3A_305 = arith.constant 8192 : i32
    %dma_wait3A_306 = tpu.memref_slice %arg7[%dma_wait3A_305] : memref<13312xi32, #tpu.memory_space<vmem>> -> memref<512xi32, #tpu.memory_space<vmem>>
    %dma_wait3A_307 = tpu.memref_slice %arg2[%add3A_131] : memref<425984xi32, #tpu.memory_space<hbm>> -> memref<512xi32, #tpu.memory_space<hbm>>
    %dma_wait3A_308 = arith.constant 8192 : i32
    %dma_wait3A_309 = tpu.memref_slice %arg7[%dma_wait3A_308] : memref<13312xi32, #tpu.memory_space<vmem>> -> memref<512xi32, #tpu.memory_space<vmem>>
    %dma_wait3A_310 = tpu.memref_slice %arg2[%add3A_131] : memref<425984xi32, #tpu.memory_space<hbm>> -> memref<512xi32, #tpu.memory_space<hbm>>
    tpu.wait_dma2 semaphore(%arg12 : memref<!tpu.dma_semaphore, #tpu.memory_space<semaphore_mem>>) src(%dma_wait3A_310 : memref<512xi32, #tpu.memory_space<hbm>>) dst(%dma_wait3A_309 : memref<512xi32, #tpu.memory_space<vmem>>)
    %dma_wait3A_311 = arith.constant 8704 : i32
    %dma_wait3A_312 = tpu.memref_slice %arg7[%dma_wait3A_311] : memref<13312xi32, #tpu.memory_space<vmem>> -> memref<512xi32, #tpu.memory_space<vmem>>
    %dma_wait3A_313 = tpu.memref_slice %arg2[%add3A_139] : memref<425984xi32, #tpu.memory_space<hbm>> -> memref<512xi32, #tpu.memory_space<hbm>>
    %dma_wait3A_314 = arith.constant 8704 : i32
    %dma_wait3A_315 = tpu.memref_slice %arg7[%dma_wait3A_314] : memref<13312xi32, #tpu.memory_space<vmem>> -> memref<512xi32, #tpu.memory_space<vmem>>
    %dma_wait3A_316 = tpu.memref_slice %arg2[%add3A_139] : memref<425984xi32, #tpu.memory_space<hbm>> -> memref<512xi32, #tpu.memory_space<hbm>>
    tpu.wait_dma2 semaphore(%arg12 : memref<!tpu.dma_semaphore, #tpu.memory_space<semaphore_mem>>) src(%dma_wait3A_316 : memref<512xi32, #tpu.memory_space<hbm>>) dst(%dma_wait3A_315 : memref<512xi32, #tpu.memory_space<vmem>>)
    %dma_wait3A_317 = arith.constant 9216 : i32
    %dma_wait3A_318 = tpu.memref_slice %arg7[%dma_wait3A_317] : memref<13312xi32, #tpu.memory_space<vmem>> -> memref<512xi32, #tpu.memory_space<vmem>>
    %dma_wait3A_319 = tpu.memref_slice %arg2[%add3A_147] : memref<425984xi32, #tpu.memory_space<hbm>> -> memref<512xi32, #tpu.memory_space<hbm>>
    %dma_wait3A_320 = arith.constant 9216 : i32
    %dma_wait3A_321 = tpu.memref_slice %arg7[%dma_wait3A_320] : memref<13312xi32, #tpu.memory_space<vmem>> -> memref<512xi32, #tpu.memory_space<vmem>>
    %dma_wait3A_322 = tpu.memref_slice %arg2[%add3A_147] : memref<425984xi32, #tpu.memory_space<hbm>> -> memref<512xi32, #tpu.memory_space<hbm>>
    tpu.wait_dma2 semaphore(%arg12 : memref<!tpu.dma_semaphore, #tpu.memory_space<semaphore_mem>>) src(%dma_wait3A_322 : memref<512xi32, #tpu.memory_space<hbm>>) dst(%dma_wait3A_321 : memref<512xi32, #tpu.memory_space<vmem>>)
    %dma_wait3A_323 = arith.constant 9728 : i32
    %dma_wait3A_324 = tpu.memref_slice %arg7[%dma_wait3A_323] : memref<13312xi32, #tpu.memory_space<vmem>> -> memref<512xi32, #tpu.memory_space<vmem>>
    %dma_wait3A_325 = tpu.memref_slice %arg2[%add3A_155] : memref<425984xi32, #tpu.memory_space<hbm>> -> memref<512xi32, #tpu.memory_space<hbm>>
    %dma_wait3A_326 = arith.constant 9728 : i32
    %dma_wait3A_327 = tpu.memref_slice %arg7[%dma_wait3A_326] : memref<13312xi32, #tpu.memory_space<vmem>> -> memref<512xi32, #tpu.memory_space<vmem>>
    %dma_wait3A_328 = tpu.memref_slice %arg2[%add3A_155] : memref<425984xi32, #tpu.memory_space<hbm>> -> memref<512xi32, #tpu.memory_space<hbm>>
    tpu.wait_dma2 semaphore(%arg12 : memref<!tpu.dma_semaphore, #tpu.memory_space<semaphore_mem>>) src(%dma_wait3A_328 : memref<512xi32, #tpu.memory_space<hbm>>) dst(%dma_wait3A_327 : memref<512xi32, #tpu.memory_space<vmem>>)
    %dma_wait3A_329 = arith.constant 10240 : i32
    %dma_wait3A_330 = tpu.memref_slice %arg7[%dma_wait3A_329] : memref<13312xi32, #tpu.memory_space<vmem>> -> memref<512xi32, #tpu.memory_space<vmem>>
    %dma_wait3A_331 = tpu.memref_slice %arg2[%add3A_163] : memref<425984xi32, #tpu.memory_space<hbm>> -> memref<512xi32, #tpu.memory_space<hbm>>
    %dma_wait3A_332 = arith.constant 10240 : i32
    %dma_wait3A_333 = tpu.memref_slice %arg7[%dma_wait3A_332] : memref<13312xi32, #tpu.memory_space<vmem>> -> memref<512xi32, #tpu.memory_space<vmem>>
    %dma_wait3A_334 = tpu.memref_slice %arg2[%add3A_163] : memref<425984xi32, #tpu.memory_space<hbm>> -> memref<512xi32, #tpu.memory_space<hbm>>
    tpu.wait_dma2 semaphore(%arg12 : memref<!tpu.dma_semaphore, #tpu.memory_space<semaphore_mem>>) src(%dma_wait3A_334 : memref<512xi32, #tpu.memory_space<hbm>>) dst(%dma_wait3A_333 : memref<512xi32, #tpu.memory_space<vmem>>)
    %dma_wait3A_335 = arith.constant 10752 : i32
    %dma_wait3A_336 = tpu.memref_slice %arg7[%dma_wait3A_335] : memref<13312xi32, #tpu.memory_space<vmem>> -> memref<512xi32, #tpu.memory_space<vmem>>
    %dma_wait3A_337 = tpu.memref_slice %arg2[%add3A_171] : memref<425984xi32, #tpu.memory_space<hbm>> -> memref<512xi32, #tpu.memory_space<hbm>>
    %dma_wait3A_338 = arith.constant 10752 : i32
    %dma_wait3A_339 = tpu.memref_slice %arg7[%dma_wait3A_338] : memref<13312xi32, #tpu.memory_space<vmem>> -> memref<512xi32, #tpu.memory_space<vmem>>
    %dma_wait3A_340 = tpu.memref_slice %arg2[%add3A_171] : memref<425984xi32, #tpu.memory_space<hbm>> -> memref<512xi32, #tpu.memory_space<hbm>>
    tpu.wait_dma2 semaphore(%arg12 : memref<!tpu.dma_semaphore, #tpu.memory_space<semaphore_mem>>) src(%dma_wait3A_340 : memref<512xi32, #tpu.memory_space<hbm>>) dst(%dma_wait3A_339 : memref<512xi32, #tpu.memory_space<vmem>>)
    %dma_wait3A_341 = arith.constant 11264 : i32
    %dma_wait3A_342 = tpu.memref_slice %arg7[%dma_wait3A_341] : memref<13312xi32, #tpu.memory_space<vmem>> -> memref<512xi32, #tpu.memory_space<vmem>>
    %dma_wait3A_343 = tpu.memref_slice %arg2[%add3A_179] : memref<425984xi32, #tpu.memory_space<hbm>> -> memref<512xi32, #tpu.memory_space<hbm>>
    %dma_wait3A_344 = arith.constant 11264 : i32
    %dma_wait3A_345 = tpu.memref_slice %arg7[%dma_wait3A_344] : memref<13312xi32, #tpu.memory_space<vmem>> -> memref<512xi32, #tpu.memory_space<vmem>>
    %dma_wait3A_346 = tpu.memref_slice %arg2[%add3A_179] : memref<425984xi32, #tpu.memory_space<hbm>> -> memref<512xi32, #tpu.memory_space<hbm>>
    tpu.wait_dma2 semaphore(%arg12 : memref<!tpu.dma_semaphore, #tpu.memory_space<semaphore_mem>>) src(%dma_wait3A_346 : memref<512xi32, #tpu.memory_space<hbm>>) dst(%dma_wait3A_345 : memref<512xi32, #tpu.memory_space<vmem>>)
    %dma_wait3A_347 = arith.constant 11776 : i32
    %dma_wait3A_348 = tpu.memref_slice %arg7[%dma_wait3A_347] : memref<13312xi32, #tpu.memory_space<vmem>> -> memref<512xi32, #tpu.memory_space<vmem>>
    %dma_wait3A_349 = tpu.memref_slice %arg2[%add3A_187] : memref<425984xi32, #tpu.memory_space<hbm>> -> memref<512xi32, #tpu.memory_space<hbm>>
    %dma_wait3A_350 = arith.constant 11776 : i32
    %dma_wait3A_351 = tpu.memref_slice %arg7[%dma_wait3A_350] : memref<13312xi32, #tpu.memory_space<vmem>> -> memref<512xi32, #tpu.memory_space<vmem>>
    %dma_wait3A_352 = tpu.memref_slice %arg2[%add3A_187] : memref<425984xi32, #tpu.memory_space<hbm>> -> memref<512xi32, #tpu.memory_space<hbm>>
    tpu.wait_dma2 semaphore(%arg12 : memref<!tpu.dma_semaphore, #tpu.memory_space<semaphore_mem>>) src(%dma_wait3A_352 : memref<512xi32, #tpu.memory_space<hbm>>) dst(%dma_wait3A_351 : memref<512xi32, #tpu.memory_space<vmem>>)
    %dma_wait3A_353 = arith.constant 12288 : i32
    %dma_wait3A_354 = tpu.memref_slice %arg7[%dma_wait3A_353] : memref<13312xi32, #tpu.memory_space<vmem>> -> memref<512xi32, #tpu.memory_space<vmem>>
    %dma_wait3A_355 = tpu.memref_slice %arg2[%add3A_195] : memref<425984xi32, #tpu.memory_space<hbm>> -> memref<512xi32, #tpu.memory_space<hbm>>
    %dma_wait3A_356 = arith.constant 12288 : i32
    %dma_wait3A_357 = tpu.memref_slice %arg7[%dma_wait3A_356] : memref<13312xi32, #tpu.memory_space<vmem>> -> memref<512xi32, #tpu.memory_space<vmem>>
    %dma_wait3A_358 = tpu.memref_slice %arg2[%add3A_195] : memref<425984xi32, #tpu.memory_space<hbm>> -> memref<512xi32, #tpu.memory_space<hbm>>
    tpu.wait_dma2 semaphore(%arg12 : memref<!tpu.dma_semaphore, #tpu.memory_space<semaphore_mem>>) src(%dma_wait3A_358 : memref<512xi32, #tpu.memory_space<hbm>>) dst(%dma_wait3A_357 : memref<512xi32, #tpu.memory_space<vmem>>)
    %dma_wait3A_359 = arith.constant 12800 : i32
    %dma_wait3A_360 = tpu.memref_slice %arg7[%dma_wait3A_359] : memref<13312xi32, #tpu.memory_space<vmem>> -> memref<512xi32, #tpu.memory_space<vmem>>
    %dma_wait3A_361 = tpu.memref_slice %arg2[%add3A_203] : memref<425984xi32, #tpu.memory_space<hbm>> -> memref<512xi32, #tpu.memory_space<hbm>>
    %dma_wait3A_362 = arith.constant 12800 : i32
    %dma_wait3A_363 = tpu.memref_slice %arg7[%dma_wait3A_362] : memref<13312xi32, #tpu.memory_space<vmem>> -> memref<512xi32, #tpu.memory_space<vmem>>
    %dma_wait3A_364 = tpu.memref_slice %arg2[%add3A_203] : memref<425984xi32, #tpu.memory_space<hbm>> -> memref<512xi32, #tpu.memory_space<hbm>>
    tpu.wait_dma2 semaphore(%arg12 : memref<!tpu.dma_semaphore, #tpu.memory_space<semaphore_mem>>) src(%dma_wait3A_364 : memref<512xi32, #tpu.memory_space<hbm>>) dst(%dma_wait3A_363 : memref<512xi32, #tpu.memory_space<vmem>>)
    %scan3A = arith.constant 0 : i32
    %scan3A_365 = arith.constant 0 : i32
    %scan3A_366 = arith.constant 832 : i32
    %scan3A_367 = arith.addi %scan3A_365, %scan3A_366 : i32
    %scan3A_368 = arith.constant 8 : i32
    scf.for %scan3A_472 = %scan3A_365 to %scan3A_367 step %scan3A_368  : i32 {
      %jit3A = arith.constant 32 : i32
      %div3A = arith.divsi %scan3A_472, %jit3A : i32
      %sign3A = arith.constant 0 : i32
      %sign3A_473 = arith.cmpi sgt, %scan3A_472, %sign3A : i32
      %sign3A_474 = arith.extui %sign3A_473 : i1 to i32
      %sign3A_475 = arith.constant 0 : i32
      %sign3A_476 = arith.cmpi slt, %scan3A_472, %sign3A_475 : i32
      %sign3A_477 = arith.extui %sign3A_476 : i1 to i32
      %sign3A_478 = arith.subi %sign3A_474, %sign3A_477 : i32
      %sign3A_479 = arith.constant 0 : i32
      %sign3A_480 = arith.cmpi sgt, %jit3A, %sign3A_479 : i32
      %sign3A_481 = arith.extui %sign3A_480 : i1 to i32
      %sign3A_482 = arith.constant 0 : i32
      %sign3A_483 = arith.cmpi slt, %jit3A, %sign3A_482 : i32
      %sign3A_484 = arith.extui %sign3A_483 : i1 to i32
      %sign3A_485 = arith.subi %sign3A_481, %sign3A_484 : i32
      %ne3A = arith.cmpi ne, %sign3A_478, %sign3A_485 : i32
      %rem3A = arith.remsi %scan3A_472, %jit3A : i32
      %ne3A_486 = arith.constant 0 : i32
      %ne3A_487 = arith.cmpi ne, %rem3A, %ne3A_486 : i32
      %and3A = arith.andi %ne3A, %ne3A_487 : i1
      %sub3A = arith.constant 1 : i32
      %sub3A_488 = arith.subi %div3A, %sub3A : i32
      %select_n3A = arith.select %and3A, %sub3A_488, %div3A : i32
      %mul3A_489 = arith.constant 16 : i32
      %mul3A_490 = arith.muli %scan3A_472, %mul3A_489 : i32
      %get3A = arith.index_cast %mul3A_490 : i32 to index
      %get3A_491 = tpu.vector_load %arg7[%get3A] {strides = array<i32>} : memref<13312xi32, #tpu.memory_space<vmem>>, vector<16xi32>,
      %get3A_492 = vector.shape_cast %get3A_491 : vector<16xi32> to vector<16xi32>
      %mul3A_493 = arith.constant 1000000 : i32
      %mul3A_494 = arith.muli %select_n3A, %mul3A_493 : i32
      %add3A_495 = vector.broadcast %mul3A_494 : i32 to vector<16xi32>
      %add3A_496 = arith.addi %get3A_492, %add3A_495 : vector<16xi32>
      %mul3A_497 = arith.constant 16 : i32
      %mul3A_498 = arith.muli %scan3A_472, %mul3A_497 : i32
      %swap3A = arith.index_cast %mul3A_498 : i32 to index
      %swap3A_499 = tpu.vector_load %arg7[%swap3A] {strides = array<i32>} : memref<13312xi32, #tpu.memory_space<vmem>>, vector<16xi32>,
      %swap3A_500 = vector.shape_cast %swap3A_499 : vector<16xi32> to vector<16xi32>
      %swap3A_501 = vector.shape_cast %add3A_496 : vector<16xi32> to vector<16xi32>
      tpu.vector_store %arg7[%swap3A], %swap3A_501 {strides = array<i32>} : memref<13312xi32, #tpu.memory_space<vmem>>, vector<16xi32>,
      %scan3A_502 = arith.constant 1 : i32
      %scan3A_503 = arith.addi %scan3A_472, %scan3A_502 : i32
      %jit3A_504 = arith.constant 32 : i32
      %div3A_505 = arith.divsi %scan3A_503, %jit3A_504 : i32
      %sign3A_506 = arith.constant 0 : i32
      %sign3A_507 = arith.cmpi sgt, %scan3A_503, %sign3A_506 : i32
      %sign3A_508 = arith.extui %sign3A_507 : i1 to i32
      %sign3A_509 = arith.constant 0 : i32
      %sign3A_510 = arith.cmpi slt, %scan3A_503, %sign3A_509 : i32
      %sign3A_511 = arith.extui %sign3A_510 : i1 to i32
      %sign3A_512 = arith.subi %sign3A_508, %sign3A_511 : i32
      %sign3A_513 = arith.constant 0 : i32
      %sign3A_514 = arith.cmpi sgt, %jit3A_504, %sign3A_513 : i32
      %sign3A_515 = arith.extui %sign3A_514 : i1 to i32
      %sign3A_516 = arith.constant 0 : i32
      %sign3A_517 = arith.cmpi slt, %jit3A_504, %sign3A_516 : i32
      %sign3A_518 = arith.extui %sign3A_517 : i1 to i32
      %sign3A_519 = arith.subi %sign3A_515, %sign3A_518 : i32
      %ne3A_520 = arith.cmpi ne, %sign3A_512, %sign3A_519 : i32
      %rem3A_521 = arith.remsi %scan3A_503, %jit3A_504 : i32
      %ne3A_522 = arith.constant 0 : i32
      %ne3A_523 = arith.cmpi ne, %rem3A_521, %ne3A_522 : i32
      %and3A_524 = arith.andi %ne3A_520, %ne3A_523 : i1
      %sub3A_525 = arith.constant 1 : i32
      %sub3A_526 = arith.subi %div3A_505, %sub3A_525 : i32
      %select_n3A_527 = arith.select %and3A_524, %sub3A_526, %div3A_505 : i32
      %mul3A_528 = arith.constant 16 : i32
      %mul3A_529 = arith.muli %scan3A_503, %mul3A_528 : i32
      %get3A_530 = arith.index_cast %mul3A_529 : i32 to index
      %get3A_531 = tpu.vector_load %arg7[%get3A_530] {strides = array<i32>} : memref<13312xi32, #tpu.memory_space<vmem>>, vector<16xi32>,
      %get3A_532 = vector.shape_cast %get3A_531 : vector<16xi32> to vector<16xi32>
      %mul3A_533 = arith.constant 1000000 : i32
      %mul3A_534 = arith.muli %select_n3A_527, %mul3A_533 : i32
      %add3A_535 = vector.broadcast %mul3A_534 : i32 to vector<16xi32>
      %add3A_536 = arith.addi %get3A_532, %add3A_535 : vector<16xi32>
      %mul3A_537 = arith.constant 16 : i32
      %mul3A_538 = arith.muli %scan3A_503, %mul3A_537 : i32
      %swap3A_539 = arith.index_cast %mul3A_538 : i32 to index
      %swap3A_540 = tpu.vector_load %arg7[%swap3A_539] {strides = array<i32>} : memref<13312xi32, #tpu.memory_space<vmem>>, vector<16xi32>,
      %swap3A_541 = vector.shape_cast %swap3A_540 : vector<16xi32> to vector<16xi32>
      %swap3A_542 = vector.shape_cast %add3A_536 : vector<16xi32> to vector<16xi32>
      tpu.vector_store %arg7[%swap3A_539], %swap3A_542 {strides = array<i32>} : memref<13312xi32, #tpu.memory_space<vmem>>, vector<16xi32>,
      %scan3A_543 = arith.constant 2 : i32
      %scan3A_544 = arith.addi %scan3A_472, %scan3A_543 : i32
      %jit3A_545 = arith.constant 32 : i32
      %div3A_546 = arith.divsi %scan3A_544, %jit3A_545 : i32
      %sign3A_547 = arith.constant 0 : i32
      %sign3A_548 = arith.cmpi sgt, %scan3A_544, %sign3A_547 : i32
      %sign3A_549 = arith.extui %sign3A_548 : i1 to i32
      %sign3A_550 = arith.constant 0 : i32
      %sign3A_551 = arith.cmpi slt, %scan3A_544, %sign3A_550 : i32
      %sign3A_552 = arith.extui %sign3A_551 : i1 to i32
      %sign3A_553 = arith.subi %sign3A_549, %sign3A_552 : i32
      %sign3A_554 = arith.constant 0 : i32
      %sign3A_555 = arith.cmpi sgt, %jit3A_545, %sign3A_554 : i32
      %sign3A_556 = arith.extui %sign3A_555 : i1 to i32
      %sign3A_557 = arith.constant 0 : i32
      %sign3A_558 = arith.cmpi slt, %jit3A_545, %sign3A_557 : i32
      %sign3A_559 = arith.extui %sign3A_558 : i1 to i32
      %sign3A_560 = arith.subi %sign3A_556, %sign3A_559 : i32
      %ne3A_561 = arith.cmpi ne, %sign3A_553, %sign3A_560 : i32
      %rem3A_562 = arith.remsi %scan3A_544, %jit3A_545 : i32
      %ne3A_563 = arith.constant 0 : i32
      %ne3A_564 = arith.cmpi ne, %rem3A_562, %ne3A_563 : i32
      %and3A_565 = arith.andi %ne3A_561, %ne3A_564 : i1
      %sub3A_566 = arith.constant 1 : i32
      %sub3A_567 = arith.subi %div3A_546, %sub3A_566 : i32
      %select_n3A_568 = arith.select %and3A_565, %sub3A_567, %div3A_546 : i32
      %mul3A_569 = arith.constant 16 : i32
      %mul3A_570 = arith.muli %scan3A_544, %mul3A_569 : i32
      %get3A_571 = arith.index_cast %mul3A_570 : i32 to index
      %get3A_572 = tpu.vector_load %arg7[%get3A_571] {strides = array<i32>} : memref<13312xi32, #tpu.memory_space<vmem>>, vector<16xi32>,
      %get3A_573 = vector.shape_cast %get3A_572 : vector<16xi32> to vector<16xi32>
      %mul3A_574 = arith.constant 1000000 : i32
      %mul3A_575 = arith.muli %select_n3A_568, %mul3A_574 : i32
      %add3A_576 = vector.broadcast %mul3A_575 : i32 to vector<16xi32>
      %add3A_577 = arith.addi %get3A_573, %add3A_576 : vector<16xi32>
      %mul3A_578 = arith.constant 16 : i32
      %mul3A_579 = arith.muli %scan3A_544, %mul3A_578 : i32
      %swap3A_580 = arith.index_cast %mul3A_579 : i32 to index
      %swap3A_581 = tpu.vector_load %arg7[%swap3A_580] {strides = array<i32>} : memref<13312xi32, #tpu.memory_space<vmem>>, vector<16xi32>,
      %swap3A_582 = vector.shape_cast %swap3A_581 : vector<16xi32> to vector<16xi32>
      %swap3A_583 = vector.shape_cast %add3A_577 : vector<16xi32> to vector<16xi32>
      tpu.vector_store %arg7[%swap3A_580], %swap3A_583 {strides = array<i32>} : memref<13312xi32, #tpu.memory_space<vmem>>, vector<16xi32>,
      %scan3A_584 = arith.constant 3 : i32
      %scan3A_585 = arith.addi %scan3A_472, %scan3A_584 : i32
      %jit3A_586 = arith.constant 32 : i32
      %div3A_587 = arith.divsi %scan3A_585, %jit3A_586 : i32
      %sign3A_588 = arith.constant 0 : i32
      %sign3A_589 = arith.cmpi sgt, %scan3A_585, %sign3A_588 : i32
      %sign3A_590 = arith.extui %sign3A_589 : i1 to i32
      %sign3A_591 = arith.constant 0 : i32
      %sign3A_592 = arith.cmpi slt, %scan3A_585, %sign3A_591 : i32
      %sign3A_593 = arith.extui %sign3A_592 : i1 to i32
      %sign3A_594 = arith.subi %sign3A_590, %sign3A_593 : i32
      %sign3A_595 = arith.constant 0 : i32
      %sign3A_596 = arith.cmpi sgt, %jit3A_586, %sign3A_595 : i32
      %sign3A_597 = arith.extui %sign3A_596 : i1 to i32
      %sign3A_598 = arith.constant 0 : i32
      %sign3A_599 = arith.cmpi slt, %jit3A_586, %sign3A_598 : i32
      %sign3A_600 = arith.extui %sign3A_599 : i1 to i32
      %sign3A_601 = arith.subi %sign3A_597, %sign3A_600 : i32
      %ne3A_602 = arith.cmpi ne, %sign3A_594, %sign3A_601 : i32
      %rem3A_603 = arith.remsi %scan3A_585, %jit3A_586 : i32
      %ne3A_604 = arith.constant 0 : i32
      %ne3A_605 = arith.cmpi ne, %rem3A_603, %ne3A_604 : i32
      %and3A_606 = arith.andi %ne3A_602, %ne3A_605 : i1
      %sub3A_607 = arith.constant 1 : i32
      %sub3A_608 = arith.subi %div3A_587, %sub3A_607 : i32
      %select_n3A_609 = arith.select %and3A_606, %sub3A_608, %div3A_587 : i32
      %mul3A_610 = arith.constant 16 : i32
      %mul3A_611 = arith.muli %scan3A_585, %mul3A_610 : i32
      %get3A_612 = arith.index_cast %mul3A_611 : i32 to index
      %get3A_613 = tpu.vector_load %arg7[%get3A_612] {strides = array<i32>} : memref<13312xi32, #tpu.memory_space<vmem>>, vector<16xi32>,
      %get3A_614 = vector.shape_cast %get3A_613 : vector<16xi32> to vector<16xi32>
      %mul3A_615 = arith.constant 1000000 : i32
      %mul3A_616 = arith.muli %select_n3A_609, %mul3A_615 : i32
      %add3A_617 = vector.broadcast %mul3A_616 : i32 to vector<16xi32>
      %add3A_618 = arith.addi %get3A_614, %add3A_617 : vector<16xi32>
      %mul3A_619 = arith.constant 16 : i32
      %mul3A_620 = arith.muli %scan3A_585, %mul3A_619 : i32
      %swap3A_621 = arith.index_cast %mul3A_620 : i32 to index
      %swap3A_622 = tpu.vector_load %arg7[%swap3A_621] {strides = array<i32>} : memref<13312xi32, #tpu.memory_space<vmem>>, vector<16xi32>,
      %swap3A_623 = vector.shape_cast %swap3A_622 : vector<16xi32> to vector<16xi32>
      %swap3A_624 = vector.shape_cast %add3A_618 : vector<16xi32> to vector<16xi32>
      tpu.vector_store %arg7[%swap3A_621], %swap3A_624 {strides = array<i32>} : memref<13312xi32, #tpu.memory_space<vmem>>, vector<16xi32>,
      %scan3A_625 = arith.constant 4 : i32
      %scan3A_626 = arith.addi %scan3A_472, %scan3A_625 : i32
      %jit3A_627 = arith.constant 32 : i32
      %div3A_628 = arith.divsi %scan3A_626, %jit3A_627 : i32
      %sign3A_629 = arith.constant 0 : i32
      %sign3A_630 = arith.cmpi sgt, %scan3A_626, %sign3A_629 : i32
      %sign3A_631 = arith.extui %sign3A_630 : i1 to i32
      %sign3A_632 = arith.constant 0 : i32
      %sign3A_633 = arith.cmpi slt, %scan3A_626, %sign3A_632 : i32
      %sign3A_634 = arith.extui %sign3A_633 : i1 to i32
      %sign3A_635 = arith.subi %sign3A_631, %sign3A_634 : i32
      %sign3A_636 = arith.constant 0 : i32
      %sign3A_637 = arith.cmpi sgt, %jit3A_627, %sign3A_636 : i32
      %sign3A_638 = arith.extui %sign3A_637 : i1 to i32
      %sign3A_639 = arith.constant 0 : i32
      %sign3A_640 = arith.cmpi slt, %jit3A_627, %sign3A_639 : i32
      %sign3A_641 = arith.extui %sign3A_640 : i1 to i32
      %sign3A_642 = arith.subi %sign3A_638, %sign3A_641 : i32
      %ne3A_643 = arith.cmpi ne, %sign3A_635, %sign3A_642 : i32
      %rem3A_644 = arith.remsi %scan3A_626, %jit3A_627 : i32
      %ne3A_645 = arith.constant 0 : i32
      %ne3A_646 = arith.cmpi ne, %rem3A_644, %ne3A_645 : i32
      %and3A_647 = arith.andi %ne3A_643, %ne3A_646 : i1
      %sub3A_648 = arith.constant 1 : i32
      %sub3A_649 = arith.subi %div3A_628, %sub3A_648 : i32
      %select_n3A_650 = arith.select %and3A_647, %sub3A_649, %div3A_628 : i32
      %mul3A_651 = arith.constant 16 : i32
      %mul3A_652 = arith.muli %scan3A_626, %mul3A_651 : i32
      %get3A_653 = arith.index_cast %mul3A_652 : i32 to index
      %get3A_654 = tpu.vector_load %arg7[%get3A_653] {strides = array<i32>} : memref<13312xi32, #tpu.memory_space<vmem>>, vector<16xi32>,
      %get3A_655 = vector.shape_cast %get3A_654 : vector<16xi32> to vector<16xi32>
      %mul3A_656 = arith.constant 1000000 : i32
      %mul3A_657 = arith.muli %select_n3A_650, %mul3A_656 : i32
      %add3A_658 = vector.broadcast %mul3A_657 : i32 to vector<16xi32>
      %add3A_659 = arith.addi %get3A_655, %add3A_658 : vector<16xi32>
      %mul3A_660 = arith.constant 16 : i32
      %mul3A_661 = arith.muli %scan3A_626, %mul3A_660 : i32
      %swap3A_662 = arith.index_cast %mul3A_661 : i32 to index
      %swap3A_663 = tpu.vector_load %arg7[%swap3A_662] {strides = array<i32>} : memref<13312xi32, #tpu.memory_space<vmem>>, vector<16xi32>,
      %swap3A_664 = vector.shape_cast %swap3A_663 : vector<16xi32> to vector<16xi32>
      %swap3A_665 = vector.shape_cast %add3A_659 : vector<16xi32> to vector<16xi32>
      tpu.vector_store %arg7[%swap3A_662], %swap3A_665 {strides = array<i32>} : memref<13312xi32, #tpu.memory_space<vmem>>, vector<16xi32>,
      %scan3A_666 = arith.constant 5 : i32
      %scan3A_667 = arith.addi %scan3A_472, %scan3A_666 : i32
      %jit3A_668 = arith.constant 32 : i32
      %div3A_669 = arith.divsi %scan3A_667, %jit3A_668 : i32
      %sign3A_670 = arith.constant 0 : i32
      %sign3A_671 = arith.cmpi sgt, %scan3A_667, %sign3A_670 : i32
      %sign3A_672 = arith.extui %sign3A_671 : i1 to i32
      %sign3A_673 = arith.constant 0 : i32
      %sign3A_674 = arith.cmpi slt, %scan3A_667, %sign3A_673 : i32
      %sign3A_675 = arith.extui %sign3A_674 : i1 to i32
      %sign3A_676 = arith.subi %sign3A_672, %sign3A_675 : i32
      %sign3A_677 = arith.constant 0 : i32
      %sign3A_678 = arith.cmpi sgt, %jit3A_668, %sign3A_677 : i32
      %sign3A_679 = arith.extui %sign3A_678 : i1 to i32
      %sign3A_680 = arith.constant 0 : i32
      %sign3A_681 = arith.cmpi slt, %jit3A_668, %sign3A_680 : i32
      %sign3A_682 = arith.extui %sign3A_681 : i1 to i32
      %sign3A_683 = arith.subi %sign3A_679, %sign3A_682 : i32
      %ne3A_684 = arith.cmpi ne, %sign3A_676, %sign3A_683 : i32
      %rem3A_685 = arith.remsi %scan3A_667, %jit3A_668 : i32
      %ne3A_686 = arith.constant 0 : i32
      %ne3A_687 = arith.cmpi ne, %rem3A_685, %ne3A_686 : i32
      %and3A_688 = arith.andi %ne3A_684, %ne3A_687 : i1
      %sub3A_689 = arith.constant 1 : i32
      %sub3A_690 = arith.subi %div3A_669, %sub3A_689 : i32
      %select_n3A_691 = arith.select %and3A_688, %sub3A_690, %div3A_669 : i32
      %mul3A_692 = arith.constant 16 : i32
      %mul3A_693 = arith.muli %scan3A_667, %mul3A_692 : i32
      %get3A_694 = arith.index_cast %mul3A_693 : i32 to index
      %get3A_695 = tpu.vector_load %arg7[%get3A_694] {strides = array<i32>} : memref<13312xi32, #tpu.memory_space<vmem>>, vector<16xi32>,
      %get3A_696 = vector.shape_cast %get3A_695 : vector<16xi32> to vector<16xi32>
      %mul3A_697 = arith.constant 1000000 : i32
      %mul3A_698 = arith.muli %select_n3A_691, %mul3A_697 : i32
      %add3A_699 = vector.broadcast %mul3A_698 : i32 to vector<16xi32>
      %add3A_700 = arith.addi %get3A_696, %add3A_699 : vector<16xi32>
      %mul3A_701 = arith.constant 16 : i32
      %mul3A_702 = arith.muli %scan3A_667, %mul3A_701 : i32
      %swap3A_703 = arith.index_cast %mul3A_702 : i32 to index
      %swap3A_704 = tpu.vector_load %arg7[%swap3A_703] {strides = array<i32>} : memref<13312xi32, #tpu.memory_space<vmem>>, vector<16xi32>,
      %swap3A_705 = vector.shape_cast %swap3A_704 : vector<16xi32> to vector<16xi32>
      %swap3A_706 = vector.shape_cast %add3A_700 : vector<16xi32> to vector<16xi32>
      tpu.vector_store %arg7[%swap3A_703], %swap3A_706 {strides = array<i32>} : memref<13312xi32, #tpu.memory_space<vmem>>, vector<16xi32>,
      %scan3A_707 = arith.constant 6 : i32
      %scan3A_708 = arith.addi %scan3A_472, %scan3A_707 : i32
      %jit3A_709 = arith.constant 32 : i32
      %div3A_710 = arith.divsi %scan3A_708, %jit3A_709 : i32
      %sign3A_711 = arith.constant 0 : i32
      %sign3A_712 = arith.cmpi sgt, %scan3A_708, %sign3A_711 : i32
      %sign3A_713 = arith.extui %sign3A_712 : i1 to i32
      %sign3A_714 = arith.constant 0 : i32
      %sign3A_715 = arith.cmpi slt, %scan3A_708, %sign3A_714 : i32
      %sign3A_716 = arith.extui %sign3A_715 : i1 to i32
      %sign3A_717 = arith.subi %sign3A_713, %sign3A_716 : i32
      %sign3A_718 = arith.constant 0 : i32
      %sign3A_719 = arith.cmpi sgt, %jit3A_709, %sign3A_718 : i32
      %sign3A_720 = arith.extui %sign3A_719 : i1 to i32
      %sign3A_721 = arith.constant 0 : i32
      %sign3A_722 = arith.cmpi slt, %jit3A_709, %sign3A_721 : i32
      %sign3A_723 = arith.extui %sign3A_722 : i1 to i32
      %sign3A_724 = arith.subi %sign3A_720, %sign3A_723 : i32
      %ne3A_725 = arith.cmpi ne, %sign3A_717, %sign3A_724 : i32
      %rem3A_726 = arith.remsi %scan3A_708, %jit3A_709 : i32
      %ne3A_727 = arith.constant 0 : i32
      %ne3A_728 = arith.cmpi ne, %rem3A_726, %ne3A_727 : i32
      %and3A_729 = arith.andi %ne3A_725, %ne3A_728 : i1
      %sub3A_730 = arith.constant 1 : i32
      %sub3A_731 = arith.subi %div3A_710, %sub3A_730 : i32
      %select_n3A_732 = arith.select %and3A_729, %sub3A_731, %div3A_710 : i32
      %mul3A_733 = arith.constant 16 : i32
      %mul3A_734 = arith.muli %scan3A_708, %mul3A_733 : i32
      %get3A_735 = arith.index_cast %mul3A_734 : i32 to index
      %get3A_736 = tpu.vector_load %arg7[%get3A_735] {strides = array<i32>} : memref<13312xi32, #tpu.memory_space<vmem>>, vector<16xi32>,
      %get3A_737 = vector.shape_cast %get3A_736 : vector<16xi32> to vector<16xi32>
      %mul3A_738 = arith.constant 1000000 : i32
      %mul3A_739 = arith.muli %select_n3A_732, %mul3A_738 : i32
      %add3A_740 = vector.broadcast %mul3A_739 : i32 to vector<16xi32>
      %add3A_741 = arith.addi %get3A_737, %add3A_740 : vector<16xi32>
      %mul3A_742 = arith.constant 16 : i32
      %mul3A_743 = arith.muli %scan3A_708, %mul3A_742 : i32
      %swap3A_744 = arith.index_cast %mul3A_743 : i32 to index
      %swap3A_745 = tpu.vector_load %arg7[%swap3A_744] {strides = array<i32>} : memref<13312xi32, #tpu.memory_space<vmem>>, vector<16xi32>,
      %swap3A_746 = vector.shape_cast %swap3A_745 : vector<16xi32> to vector<16xi32>
      %swap3A_747 = vector.shape_cast %add3A_741 : vector<16xi32> to vector<16xi32>
      tpu.vector_store %arg7[%swap3A_744], %swap3A_747 {strides = array<i32>} : memref<13312xi32, #tpu.memory_space<vmem>>, vector<16xi32>,
      %scan3A_748 = arith.constant 7 : i32
      %scan3A_749 = arith.addi %scan3A_472, %scan3A_748 : i32
      %jit3A_750 = arith.constant 32 : i32
      %div3A_751 = arith.divsi %scan3A_749, %jit3A_750 : i32
      %sign3A_752 = arith.constant 0 : i32
      %sign3A_753 = arith.cmpi sgt, %scan3A_749, %sign3A_752 : i32
      %sign3A_754 = arith.extui %sign3A_753 : i1 to i32
      %sign3A_755 = arith.constant 0 : i32
      %sign3A_756 = arith.cmpi slt, %scan3A_749, %sign3A_755 : i32
      %sign3A_757 = arith.extui %sign3A_756 : i1 to i32
      %sign3A_758 = arith.subi %sign3A_754, %sign3A_757 : i32
      %sign3A_759 = arith.constant 0 : i32
      %sign3A_760 = arith.cmpi sgt, %jit3A_750, %sign3A_759 : i32
      %sign3A_761 = arith.extui %sign3A_760 : i1 to i32
      %sign3A_762 = arith.constant 0 : i32
      %sign3A_763 = arith.cmpi slt, %jit3A_750, %sign3A_762 : i32
      %sign3A_764 = arith.extui %sign3A_763 : i1 to i32
      %sign3A_765 = arith.subi %sign3A_761, %sign3A_764 : i32
      %ne3A_766 = arith.cmpi ne, %sign3A_758, %sign3A_765 : i32
      %rem3A_767 = arith.remsi %scan3A_749, %jit3A_750 : i32
      %ne3A_768 = arith.constant 0 : i32
      %ne3A_769 = arith.cmpi ne, %rem3A_767, %ne3A_768 : i32
      %and3A_770 = arith.andi %ne3A_766, %ne3A_769 : i1
      %sub3A_771 = arith.constant 1 : i32
      %sub3A_772 = arith.subi %div3A_751, %sub3A_771 : i32
      %select_n3A_773 = arith.select %and3A_770, %sub3A_772, %div3A_751 : i32
      %mul3A_774 = arith.constant 16 : i32
      %mul3A_775 = arith.muli %scan3A_749, %mul3A_774 : i32
      %get3A_776 = arith.index_cast %mul3A_775 : i32 to index
      %get3A_777 = tpu.vector_load %arg7[%get3A_776] {strides = array<i32>} : memref<13312xi32, #tpu.memory_space<vmem>>, vector<16xi32>,
      %get3A_778 = vector.shape_cast %get3A_777 : vector<16xi32> to vector<16xi32>
      %mul3A_779 = arith.constant 1000000 : i32
      %mul3A_780 = arith.muli %select_n3A_773, %mul3A_779 : i32
      %add3A_781 = vector.broadcast %mul3A_780 : i32 to vector<16xi32>
      %add3A_782 = arith.addi %get3A_778, %add3A_781 : vector<16xi32>
      %mul3A_783 = arith.constant 16 : i32
      %mul3A_784 = arith.muli %scan3A_749, %mul3A_783 : i32
      %swap3A_785 = arith.index_cast %mul3A_784 : i32 to index
      %swap3A_786 = tpu.vector_load %arg7[%swap3A_785] {strides = array<i32>} : memref<13312xi32, #tpu.memory_space<vmem>>, vector<16xi32>,
      %swap3A_787 = vector.shape_cast %swap3A_786 : vector<16xi32> to vector<16xi32>
      %swap3A_788 = vector.shape_cast %add3A_782 : vector<16xi32> to vector<16xi32>
      tpu.vector_store %arg7[%swap3A_785], %swap3A_788 {strides = array<i32>} : memref<13312xi32, #tpu.memory_space<vmem>>, vector<16xi32>,
    }
    %scan3A_369 = arith.constant 832 : i32
    %dma_start3A_370 = arith.constant 0 : i32
    %dma_start3A_371 = tpu.memref_slice %arg8[%dma_start3A_370] : memref<13312xf32, #tpu.memory_space<vmem>> -> memref<1664xf32, #tpu.memory_space<vmem>>
    %dma_start3A_372 = arith.constant 0 : i32
    %dma_start3A_373 = tpu.memref_slice %arg7[%dma_start3A_372] : memref<13312xi32, #tpu.memory_space<vmem>> -> memref<1664xi32, #tpu.memory_space<vmem>>
    %dma_start3A_374 = arith.constant 0 : i32
    %dma_start3A_375 = tpu.memref_slice %arg3[%dma_start3A_374] : memref<26000000xf32, #tpu.memory_space<hbm>> -> memref<26000000xf32, #tpu.memory_space<hbm>>
    tpu.enqueue_indirect_dma source(%dma_start3A_375 : memref<26000000xf32, #tpu.memory_space<hbm>>) target(%dma_start3A_371 : memref<1664xf32, #tpu.memory_space<vmem>>) offsets(%dma_start3A_373 : memref<1664xi32, #tpu.memory_space<vmem>>) semaphore(%arg12 : memref<!tpu.dma_semaphore, #tpu.memory_space<semaphore_mem>>)
    %dma_start3A_376 = arith.constant 1664 : i32
    %dma_start3A_377 = tpu.memref_slice %arg8[%dma_start3A_376] : memref<13312xf32, #tpu.memory_space<vmem>> -> memref<1664xf32, #tpu.memory_space<vmem>>
    %dma_start3A_378 = arith.constant 1664 : i32
    %dma_start3A_379 = tpu.memref_slice %arg7[%dma_start3A_378] : memref<13312xi32, #tpu.memory_space<vmem>> -> memref<1664xi32, #tpu.memory_space<vmem>>
    %dma_start3A_380 = arith.constant 0 : i32
    %dma_start3A_381 = tpu.memref_slice %arg3[%dma_start3A_380] : memref<26000000xf32, #tpu.memory_space<hbm>> -> memref<26000000xf32, #tpu.memory_space<hbm>>
    tpu.enqueue_indirect_dma source(%dma_start3A_381 : memref<26000000xf32, #tpu.memory_space<hbm>>) target(%dma_start3A_377 : memref<1664xf32, #tpu.memory_space<vmem>>) offsets(%dma_start3A_379 : memref<1664xi32, #tpu.memory_space<vmem>>) semaphore(%arg12 : memref<!tpu.dma_semaphore, #tpu.memory_space<semaphore_mem>>)
    %dma_start3A_382 = arith.constant 3328 : i32
    %dma_start3A_383 = tpu.memref_slice %arg8[%dma_start3A_382] : memref<13312xf32, #tpu.memory_space<vmem>> -> memref<1664xf32, #tpu.memory_space<vmem>>
    %dma_start3A_384 = arith.constant 3328 : i32
    %dma_start3A_385 = tpu.memref_slice %arg7[%dma_start3A_384] : memref<13312xi32, #tpu.memory_space<vmem>> -> memref<1664xi32, #tpu.memory_space<vmem>>
    %dma_start3A_386 = arith.constant 0 : i32
    %dma_start3A_387 = tpu.memref_slice %arg3[%dma_start3A_386] : memref<26000000xf32, #tpu.memory_space<hbm>> -> memref<26000000xf32, #tpu.memory_space<hbm>>
    tpu.enqueue_indirect_dma source(%dma_start3A_387 : memref<26000000xf32, #tpu.memory_space<hbm>>) target(%dma_start3A_383 : memref<1664xf32, #tpu.memory_space<vmem>>) offsets(%dma_start3A_385 : memref<1664xi32, #tpu.memory_space<vmem>>) semaphore(%arg12 : memref<!tpu.dma_semaphore, #tpu.memory_space<semaphore_mem>>)
    %dma_start3A_388 = arith.constant 4992 : i32
    %dma_start3A_389 = tpu.memref_slice %arg8[%dma_start3A_388] : memref<13312xf32, #tpu.memory_space<vmem>> -> memref<1664xf32, #tpu.memory_space<vmem>>
    %dma_start3A_390 = arith.constant 4992 : i32
    %dma_start3A_391 = tpu.memref_slice %arg7[%dma_start3A_390] : memref<13312xi32, #tpu.memory_space<vmem>> -> memref<1664xi32, #tpu.memory_space<vmem>>
    %dma_start3A_392 = arith.constant 0 : i32
    %dma_start3A_393 = tpu.memref_slice %arg3[%dma_start3A_392] : memref<26000000xf32, #tpu.memory_space<hbm>> -> memref<26000000xf32, #tpu.memory_space<hbm>>
    tpu.enqueue_indirect_dma source(%dma_start3A_393 : memref<26000000xf32, #tpu.memory_space<hbm>>) target(%dma_start3A_389 : memref<1664xf32, #tpu.memory_space<vmem>>) offsets(%dma_start3A_391 : memref<1664xi32, #tpu.memory_space<vmem>>) semaphore(%arg12 : memref<!tpu.dma_semaphore, #tpu.memory_space<semaphore_mem>>)
    %dma_start3A_394 = arith.constant 6656 : i32
    %dma_start3A_395 = tpu.memref_slice %arg8[%dma_start3A_394] : memref<13312xf32, #tpu.memory_space<vmem>> -> memref<1664xf32, #tpu.memory_space<vmem>>
    %dma_start3A_396 = arith.constant 6656 : i32
    %dma_start3A_397 = tpu.memref_slice %arg7[%dma_start3A_396] : memref<13312xi32, #tpu.memory_space<vmem>> -> memref<1664xi32, #tpu.memory_space<vmem>>
    %dma_start3A_398 = arith.constant 0 : i32
    %dma_start3A_399 = tpu.memref_slice %arg3[%dma_start3A_398] : memref<26000000xf32, #tpu.memory_space<hbm>> -> memref<26000000xf32, #tpu.memory_space<hbm>>
    tpu.enqueue_indirect_dma source(%dma_start3A_399 : memref<26000000xf32, #tpu.memory_space<hbm>>) target(%dma_start3A_395 : memref<1664xf32, #tpu.memory_space<vmem>>) offsets(%dma_start3A_397 : memref<1664xi32, #tpu.memory_space<vmem>>) semaphore(%arg12 : memref<!tpu.dma_semaphore, #tpu.memory_space<semaphore_mem>>)
    %dma_start3A_400 = arith.constant 8320 : i32
    %dma_start3A_401 = tpu.memref_slice %arg8[%dma_start3A_400] : memref<13312xf32, #tpu.memory_space<vmem>> -> memref<1664xf32, #tpu.memory_space<vmem>>
    %dma_start3A_402 = arith.constant 8320 : i32
    %dma_start3A_403 = tpu.memref_slice %arg7[%dma_start3A_402] : memref<13312xi32, #tpu.memory_space<vmem>> -> memref<1664xi32, #tpu.memory_space<vmem>>
    %dma_start3A_404 = arith.constant 0 : i32
    %dma_start3A_405 = tpu.memref_slice %arg3[%dma_start3A_404] : memref<26000000xf32, #tpu.memory_space<hbm>> -> memref<26000000xf32, #tpu.memory_space<hbm>>
    tpu.enqueue_indirect_dma source(%dma_start3A_405 : memref<26000000xf32, #tpu.memory_space<hbm>>) target(%dma_start3A_401 : memref<1664xf32, #tpu.memory_space<vmem>>) offsets(%dma_start3A_403 : memref<1664xi32, #tpu.memory_space<vmem>>) semaphore(%arg12 : memref<!tpu.dma_semaphore, #tpu.memory_space<semaphore_mem>>)
    %dma_start3A_406 = arith.constant 9984 : i32
    %dma_start3A_407 = tpu.memref_slice %arg8[%dma_start3A_406] : memref<13312xf32, #tpu.memory_space<vmem>> -> memref<1664xf32, #tpu.memory_space<vmem>>
    %dma_start3A_408 = arith.constant 9984 : i32
    %dma_start3A_409 = tpu.memref_slice %arg7[%dma_start3A_408] : memref<13312xi32, #tpu.memory_space<vmem>> -> memref<1664xi32, #tpu.memory_space<vmem>>
    %dma_start3A_410 = arith.constant 0 : i32
    %dma_start3A_411 = tpu.memref_slice %arg3[%dma_start3A_410] : memref<26000000xf32, #tpu.memory_space<hbm>> -> memref<26000000xf32, #tpu.memory_space<hbm>>
    tpu.enqueue_indirect_dma source(%dma_start3A_411 : memref<26000000xf32, #tpu.memory_space<hbm>>) target(%dma_start3A_407 : memref<1664xf32, #tpu.memory_space<vmem>>) offsets(%dma_start3A_409 : memref<1664xi32, #tpu.memory_space<vmem>>) semaphore(%arg12 : memref<!tpu.dma_semaphore, #tpu.memory_space<semaphore_mem>>)
    %dma_start3A_412 = arith.constant 11648 : i32
    %dma_start3A_413 = tpu.memref_slice %arg8[%dma_start3A_412] : memref<13312xf32, #tpu.memory_space<vmem>> -> memref<1664xf32, #tpu.memory_space<vmem>>
    %dma_start3A_414 = arith.constant 11648 : i32
    %dma_start3A_415 = tpu.memref_slice %arg7[%dma_start3A_414] : memref<13312xi32, #tpu.memory_space<vmem>> -> memref<1664xi32, #tpu.memory_space<vmem>>
    %dma_start3A_416 = arith.constant 0 : i32
    %dma_start3A_417 = tpu.memref_slice %arg3[%dma_start3A_416] : memref<26000000xf32, #tpu.memory_space<hbm>> -> memref<26000000xf32, #tpu.memory_space<hbm>>
    tpu.enqueue_indirect_dma source(%dma_start3A_417 : memref<26000000xf32, #tpu.memory_space<hbm>>) target(%dma_start3A_413 : memref<1664xf32, #tpu.memory_space<vmem>>) offsets(%dma_start3A_415 : memref<1664xi32, #tpu.memory_space<vmem>>) semaphore(%arg12 : memref<!tpu.dma_semaphore, #tpu.memory_space<semaphore_mem>>)
    %dma_wait3A_418 = arith.constant 0 : i32
    %dma_wait3A_419 = tpu.memref_slice %arg8[%dma_wait3A_418] : memref<13312xf32, #tpu.memory_space<vmem>> -> memref<1664xf32, #tpu.memory_space<vmem>>
    %dma_wait3A_420 = arith.constant 0 : i32
    %dma_wait3A_421 = tpu.memref_slice %arg7[%dma_wait3A_420] : memref<13312xi32, #tpu.memory_space<vmem>> -> memref<1664xi32, #tpu.memory_space<vmem>>
    %dma_wait3A_422 = arith.constant 0 : i32
    %dma_wait3A_423 = tpu.memref_slice %arg3[%dma_wait3A_422] : memref<26000000xf32, #tpu.memory_space<hbm>> -> memref<26000000xf32, #tpu.memory_space<hbm>>
    tpu.wait_indirect_dma semaphore(%arg12 : memref<!tpu.dma_semaphore, #tpu.memory_space<semaphore_mem>>) src(%dma_wait3A_423 : memref<26000000xf32, #tpu.memory_space<hbm>>) dst(%dma_wait3A_419 : memref<1664xf32, #tpu.memory_space<vmem>>)
    %dma_wait3A_424 = arith.constant 1664 : i32
    %dma_wait3A_425 = tpu.memref_slice %arg8[%dma_wait3A_424] : memref<13312xf32, #tpu.memory_space<vmem>> -> memref<1664xf32, #tpu.memory_space<vmem>>
    %dma_wait3A_426 = arith.constant 1664 : i32
    %dma_wait3A_427 = tpu.memref_slice %arg7[%dma_wait3A_426] : memref<13312xi32, #tpu.memory_space<vmem>> -> memref<1664xi32, #tpu.memory_space<vmem>>
    %dma_wait3A_428 = arith.constant 0 : i32
    %dma_wait3A_429 = tpu.memref_slice %arg3[%dma_wait3A_428] : memref<26000000xf32, #tpu.memory_space<hbm>> -> memref<26000000xf32, #tpu.memory_space<hbm>>
    tpu.wait_indirect_dma semaphore(%arg12 : memref<!tpu.dma_semaphore, #tpu.memory_space<semaphore_mem>>) src(%dma_wait3A_429 : memref<26000000xf32, #tpu.memory_space<hbm>>) dst(%dma_wait3A_425 : memref<1664xf32, #tpu.memory_space<vmem>>)
    %dma_wait3A_430 = arith.constant 3328 : i32
    %dma_wait3A_431 = tpu.memref_slice %arg8[%dma_wait3A_430] : memref<13312xf32, #tpu.memory_space<vmem>> -> memref<1664xf32, #tpu.memory_space<vmem>>
    %dma_wait3A_432 = arith.constant 3328 : i32
    %dma_wait3A_433 = tpu.memref_slice %arg7[%dma_wait3A_432] : memref<13312xi32, #tpu.memory_space<vmem>> -> memref<1664xi32, #tpu.memory_space<vmem>>
    %dma_wait3A_434 = arith.constant 0 : i32
    %dma_wait3A_435 = tpu.memref_slice %arg3[%dma_wait3A_434] : memref<26000000xf32, #tpu.memory_space<hbm>> -> memref<26000000xf32, #tpu.memory_space<hbm>>
    tpu.wait_indirect_dma semaphore(%arg12 : memref<!tpu.dma_semaphore, #tpu.memory_space<semaphore_mem>>) src(%dma_wait3A_435 : memref<26000000xf32, #tpu.memory_space<hbm>>) dst(%dma_wait3A_431 : memref<1664xf32, #tpu.memory_space<vmem>>)
    %dma_wait3A_436 = arith.constant 4992 : i32
    %dma_wait3A_437 = tpu.memref_slice %arg8[%dma_wait3A_436] : memref<13312xf32, #tpu.memory_space<vmem>> -> memref<1664xf32, #tpu.memory_space<vmem>>
    %dma_wait3A_438 = arith.constant 4992 : i32
    %dma_wait3A_439 = tpu.memref_slice %arg7[%dma_wait3A_438] : memref<13312xi32, #tpu.memory_space<vmem>> -> memref<1664xi32, #tpu.memory_space<vmem>>
    %dma_wait3A_440 = arith.constant 0 : i32
    %dma_wait3A_441 = tpu.memref_slice %arg3[%dma_wait3A_440] : memref<26000000xf32, #tpu.memory_space<hbm>> -> memref<26000000xf32, #tpu.memory_space<hbm>>
    tpu.wait_indirect_dma semaphore(%arg12 : memref<!tpu.dma_semaphore, #tpu.memory_space<semaphore_mem>>) src(%dma_wait3A_441 : memref<26000000xf32, #tpu.memory_space<hbm>>) dst(%dma_wait3A_437 : memref<1664xf32, #tpu.memory_space<vmem>>)
    %dma_wait3A_442 = arith.constant 6656 : i32
    %dma_wait3A_443 = tpu.memref_slice %arg8[%dma_wait3A_442] : memref<13312xf32, #tpu.memory_space<vmem>> -> memref<1664xf32, #tpu.memory_space<vmem>>
    %dma_wait3A_444 = arith.constant 6656 : i32
    %dma_wait3A_445 = tpu.memref_slice %arg7[%dma_wait3A_444] : memref<13312xi32, #tpu.memory_space<vmem>> -> memref<1664xi32, #tpu.memory_space<vmem>>
    %dma_wait3A_446 = arith.constant 0 : i32
    %dma_wait3A_447 = tpu.memref_slice %arg3[%dma_wait3A_446] : memref<26000000xf32, #tpu.memory_space<hbm>> -> memref<26000000xf32, #tpu.memory_space<hbm>>
    tpu.wait_indirect_dma semaphore(%arg12 : memref<!tpu.dma_semaphore, #tpu.memory_space<semaphore_mem>>) src(%dma_wait3A_447 : memref<26000000xf32, #tpu.memory_space<hbm>>) dst(%dma_wait3A_443 : memref<1664xf32, #tpu.memory_space<vmem>>)
    %dma_wait3A_448 = arith.constant 8320 : i32
    %dma_wait3A_449 = tpu.memref_slice %arg8[%dma_wait3A_448] : memref<13312xf32, #tpu.memory_space<vmem>> -> memref<1664xf32, #tpu.memory_space<vmem>>
    %dma_wait3A_450 = arith.constant 8320 : i32
    %dma_wait3A_451 = tpu.memref_slice %arg7[%dma_wait3A_450] : memref<13312xi32, #tpu.memory_space<vmem>> -> memref<1664xi32, #tpu.memory_space<vmem>>
    %dma_wait3A_452 = arith.constant 0 : i32
    %dma_wait3A_453 = tpu.memref_slice %arg3[%dma_wait3A_452] : memref<26000000xf32, #tpu.memory_space<hbm>> -> memref<26000000xf32, #tpu.memory_space<hbm>>
    tpu.wait_indirect_dma semaphore(%arg12 : memref<!tpu.dma_semaphore, #tpu.memory_space<semaphore_mem>>) src(%dma_wait3A_453 : memref<26000000xf32, #tpu.memory_space<hbm>>) dst(%dma_wait3A_449 : memref<1664xf32, #tpu.memory_space<vmem>>)
    %dma_wait3A_454 = arith.constant 9984 : i32
    %dma_wait3A_455 = tpu.memref_slice %arg8[%dma_wait3A_454] : memref<13312xf32, #tpu.memory_space<vmem>> -> memref<1664xf32, #tpu.memory_space<vmem>>
    %dma_wait3A_456 = arith.constant 9984 : i32
    %dma_wait3A_457 = tpu.memref_slice %arg7[%dma_wait3A_456] : memref<13312xi32, #tpu.memory_space<vmem>> -> memref<1664xi32, #tpu.memory_space<vmem>>
    %dma_wait3A_458 = arith.constant 0 : i32
    %dma_wait3A_459 = tpu.memref_slice %arg3[%dma_wait3A_458] : memref<26000000xf32, #tpu.memory_space<hbm>> -> memref<26000000xf32, #tpu.memory_space<hbm>>
    tpu.wait_indirect_dma semaphore(%arg12 : memref<!tpu.dma_semaphore, #tpu.memory_space<semaphore_mem>>) src(%dma_wait3A_459 : memref<26000000xf32, #tpu.memory_space<hbm>>) dst(%dma_wait3A_455 : memref<1664xf32, #tpu.memory_space<vmem>>)
    %dma_wait3A_460 = arith.constant 11648 : i32
    %dma_wait3A_461 = tpu.memref_slice %arg8[%dma_wait3A_460] : memref<13312xf32, #tpu.memory_space<vmem>> -> memref<1664xf32, #tpu.memory_space<vmem>>
    %dma_wait3A_462 = arith.constant 11648 : i32
    %dma_wait3A_463 = tpu.memref_slice %arg7[%dma_wait3A_462] : memref<13312xi32, #tpu.memory_space<vmem>> -> memref<1664xi32, #tpu.memory_space<vmem>>
    %dma_wait3A_464 = arith.constant 0 : i32
    %dma_wait3A_465 = tpu.memref_slice %arg3[%dma_wait3A_464] : memref<26000000xf32, #tpu.memory_space<hbm>> -> memref<26000000xf32, #tpu.memory_space<hbm>>
    tpu.wait_indirect_dma semaphore(%arg12 : memref<!tpu.dma_semaphore, #tpu.memory_space<semaphore_mem>>) src(%dma_wait3A_465 : memref<26000000xf32, #tpu.memory_space<hbm>>) dst(%dma_wait3A_461 : memref<1664xf32, #tpu.memory_space<vmem>>)
    %scan3A_466 = arith.constant 0 : i32
    %scan3A_467 = arith.constant 0 : i32
    %scan3A_468 = arith.constant 32 : i32
    %scan3A_469 = arith.addi %scan3A_467, %scan3A_468 : i32
    %scan3A_470 = arith.constant 1 : i32
    scf.for %scan3A_472 = %scan3A_467 to %scan3A_469 step %scan3A_470  : i32 {
      %get3A = arith.constant 0 : index
      %get3A_473 = tpu.vector_load %arg10[%get3A] {strides = array<i32>} : memref<16xf32, #tpu.memory_space<vmem>>, vector<16xf32>,
      %get3A_474 = vector.shape_cast %get3A_473 : vector<16xf32> to vector<16xf32>
      %mul3A_475 = arith.constant 16 : i32
      %mul3A_476 = arith.muli %scan3A_472, %mul3A_475 : i32
      %add3A_477 = arith.constant 0 : i32
      %add3A_478 = arith.addi %add3A_477, %mul3A_476 : i32
      %get3A_479 = arith.index_cast %add3A_478 : i32 to index
      %get3A_480 = tpu.vector_load %arg8[%get3A_479] {strides = array<i32>} : memref<13312xf32, #tpu.memory_space<vmem>>, vector<16xf32>,
      %get3A_481 = vector.shape_cast %get3A_480 : vector<16xf32> to vector<16xf32>
      %get3A_482 = arith.constant 0 : index
      %get3A_483 = tpu.vector_load %arg9[%get3A_482] {strides = array<i32>} : memref<416xf32, #tpu.memory_space<vmem>>, vector<16xf32>,
      %get3A_484 = vector.shape_cast %get3A_483 : vector<16xf32> to vector<16xf32>
      %mul3A_485 = arith.mulf %get3A_481, %get3A_484 : vector<16xf32>
      %add3A_486 = arith.addf %get3A_474, %mul3A_485 : vector<16xf32>
      %mul3A_487 = arith.constant 16 : i32
      %mul3A_488 = arith.muli %scan3A_472, %mul3A_487 : i32
      %add3A_489 = arith.constant 512 : i32
      %add3A_490 = arith.addi %add3A_489, %mul3A_488 : i32
      %get3A_491 = arith.index_cast %add3A_490 : i32 to index
      %get3A_492 = tpu.vector_load %arg8[%get3A_491] {strides = array<i32>} : memref<13312xf32, #tpu.memory_space<vmem>>, vector<16xf32>,
      %get3A_493 = vector.shape_cast %get3A_492 : vector<16xf32> to vector<16xf32>
      %get3A_494 = arith.constant 16 : index
      %get3A_495 = tpu.vector_load %arg9[%get3A_494] {strides = array<i32>} : memref<416xf32, #tpu.memory_space<vmem>>, vector<16xf32>,
      %get3A_496 = vector.shape_cast %get3A_495 : vector<16xf32> to vector<16xf32>
      %mul3A_497 = arith.mulf %get3A_493, %get3A_496 : vector<16xf32>
      %add3A_498 = arith.addf %add3A_486, %mul3A_497 : vector<16xf32>
      %mul3A_499 = arith.constant 16 : i32
      %mul3A_500 = arith.muli %scan3A_472, %mul3A_499 : i32
      %add3A_501 = arith.constant 1024 : i32
      %add3A_502 = arith.addi %add3A_501, %mul3A_500 : i32
      %get3A_503 = arith.index_cast %add3A_502 : i32 to index
      %get3A_504 = tpu.vector_load %arg8[%get3A_503] {strides = array<i32>} : memref<13312xf32, #tpu.memory_space<vmem>>, vector<16xf32>,
      %get3A_505 = vector.shape_cast %get3A_504 : vector<16xf32> to vector<16xf32>
      %get3A_506 = arith.constant 32 : index
      %get3A_507 = tpu.vector_load %arg9[%get3A_506] {strides = array<i32>} : memref<416xf32, #tpu.memory_space<vmem>>, vector<16xf32>,
      %get3A_508 = vector.shape_cast %get3A_507 : vector<16xf32> to vector<16xf32>
      %mul3A_509 = arith.mulf %get3A_505, %get3A_508 : vector<16xf32>
      %add3A_510 = arith.addf %add3A_498, %mul3A_509 : vector<16xf32>
      %mul3A_511 = arith.constant 16 : i32
      %mul3A_512 = arith.muli %scan3A_472, %mul3A_511 : i32
      %add3A_513 = arith.constant 1536 : i32
      %add3A_514 = arith.addi %add3A_513, %mul3A_512 : i32
      %get3A_515 = arith.index_cast %add3A_514 : i32 to index
      %get3A_516 = tpu.vector_load %arg8[%get3A_515] {strides = array<i32>} : memref<13312xf32, #tpu.memory_space<vmem>>, vector<16xf32>,
      %get3A_517 = vector.shape_cast %get3A_516 : vector<16xf32> to vector<16xf32>
      %get3A_518 = arith.constant 48 : index
      %get3A_519 = tpu.vector_load %arg9[%get3A_518] {strides = array<i32>} : memref<416xf32, #tpu.memory_space<vmem>>, vector<16xf32>,
      %get3A_520 = vector.shape_cast %get3A_519 : vector<16xf32> to vector<16xf32>
      %mul3A_521 = arith.mulf %get3A_517, %get3A_520 : vector<16xf32>
      %add3A_522 = arith.addf %add3A_510, %mul3A_521 : vector<16xf32>
      %mul3A_523 = arith.constant 16 : i32
      %mul3A_524 = arith.muli %scan3A_472, %mul3A_523 : i32
      %add3A_525 = arith.constant 2048 : i32
      %add3A_526 = arith.addi %add3A_525, %mul3A_524 : i32
      %get3A_527 = arith.index_cast %add3A_526 : i32 to index
      %get3A_528 = tpu.vector_load %arg8[%get3A_527] {strides = array<i32>} : memref<13312xf32, #tpu.memory_space<vmem>>, vector<16xf32>,
      %get3A_529 = vector.shape_cast %get3A_528 : vector<16xf32> to vector<16xf32>
      %get3A_530 = arith.constant 64 : index
      %get3A_531 = tpu.vector_load %arg9[%get3A_530] {strides = array<i32>} : memref<416xf32, #tpu.memory_space<vmem>>, vector<16xf32>,
      %get3A_532 = vector.shape_cast %get3A_531 : vector<16xf32> to vector<16xf32>
      %mul3A_533 = arith.mulf %get3A_529, %get3A_532 : vector<16xf32>
      %add3A_534 = arith.addf %add3A_522, %mul3A_533 : vector<16xf32>
      %mul3A_535 = arith.constant 16 : i32
      %mul3A_536 = arith.muli %scan3A_472, %mul3A_535 : i32
      %add3A_537 = arith.constant 2560 : i32
      %add3A_538 = arith.addi %add3A_537, %mul3A_536 : i32
      %get3A_539 = arith.index_cast %add3A_538 : i32 to index
      %get3A_540 = tpu.vector_load %arg8[%get3A_539] {strides = array<i32>} : memref<13312xf32, #tpu.memory_space<vmem>>, vector<16xf32>,
      %get3A_541 = vector.shape_cast %get3A_540 : vector<16xf32> to vector<16xf32>
      %get3A_542 = arith.constant 80 : index
      %get3A_543 = tpu.vector_load %arg9[%get3A_542] {strides = array<i32>} : memref<416xf32, #tpu.memory_space<vmem>>, vector<16xf32>,
      %get3A_544 = vector.shape_cast %get3A_543 : vector<16xf32> to vector<16xf32>
      %mul3A_545 = arith.mulf %get3A_541, %get3A_544 : vector<16xf32>
      %add3A_546 = arith.addf %add3A_534, %mul3A_545 : vector<16xf32>
      %mul3A_547 = arith.constant 16 : i32
      %mul3A_548 = arith.muli %scan3A_472, %mul3A_547 : i32
      %add3A_549 = arith.constant 3072 : i32
      %add3A_550 = arith.addi %add3A_549, %mul3A_548 : i32
      %get3A_551 = arith.index_cast %add3A_550 : i32 to index
      %get3A_552 = tpu.vector_load %arg8[%get3A_551] {strides = array<i32>} : memref<13312xf32, #tpu.memory_space<vmem>>, vector<16xf32>,
      %get3A_553 = vector.shape_cast %get3A_552 : vector<16xf32> to vector<16xf32>
      %get3A_554 = arith.constant 96 : index
      %get3A_555 = tpu.vector_load %arg9[%get3A_554] {strides = array<i32>} : memref<416xf32, #tpu.memory_space<vmem>>, vector<16xf32>,
      %get3A_556 = vector.shape_cast %get3A_555 : vector<16xf32> to vector<16xf32>
      %mul3A_557 = arith.mulf %get3A_553, %get3A_556 : vector<16xf32>
      %add3A_558 = arith.addf %add3A_546, %mul3A_557 : vector<16xf32>
      %mul3A_559 = arith.constant 16 : i32
      %mul3A_560 = arith.muli %scan3A_472, %mul3A_559 : i32
      %add3A_561 = arith.constant 3584 : i32
      %add3A_562 = arith.addi %add3A_561, %mul3A_560 : i32
      %get3A_563 = arith.index_cast %add3A_562 : i32 to index
      %get3A_564 = tpu.vector_load %arg8[%get3A_563] {strides = array<i32>} : memref<13312xf32, #tpu.memory_space<vmem>>, vector<16xf32>,
      %get3A_565 = vector.shape_cast %get3A_564 : vector<16xf32> to vector<16xf32>
      %get3A_566 = arith.constant 112 : index
      %get3A_567 = tpu.vector_load %arg9[%get3A_566] {strides = array<i32>} : memref<416xf32, #tpu.memory_space<vmem>>, vector<16xf32>,
      %get3A_568 = vector.shape_cast %get3A_567 : vector<16xf32> to vector<16xf32>
      %mul3A_569 = arith.mulf %get3A_565, %get3A_568 : vector<16xf32>
      %add3A_570 = arith.addf %add3A_558, %mul3A_569 : vector<16xf32>
      %mul3A_571 = arith.constant 16 : i32
      %mul3A_572 = arith.muli %scan3A_472, %mul3A_571 : i32
      %add3A_573 = arith.constant 4096 : i32
      %add3A_574 = arith.addi %add3A_573, %mul3A_572 : i32
      %get3A_575 = arith.index_cast %add3A_574 : i32 to index
      %get3A_576 = tpu.vector_load %arg8[%get3A_575] {strides = array<i32>} : memref<13312xf32, #tpu.memory_space<vmem>>, vector<16xf32>,
      %get3A_577 = vector.shape_cast %get3A_576 : vector<16xf32> to vector<16xf32>
      %get3A_578 = arith.constant 128 : index
      %get3A_579 = tpu.vector_load %arg9[%get3A_578] {strides = array<i32>} : memref<416xf32, #tpu.memory_space<vmem>>, vector<16xf32>,
      %get3A_580 = vector.shape_cast %get3A_579 : vector<16xf32> to vector<16xf32>
      %mul3A_581 = arith.mulf %get3A_577, %get3A_580 : vector<16xf32>
      %add3A_582 = arith.addf %add3A_570, %mul3A_581 : vector<16xf32>
      %mul3A_583 = arith.constant 16 : i32
      %mul3A_584 = arith.muli %scan3A_472, %mul3A_583 : i32
      %add3A_585 = arith.constant 4608 : i32
      %add3A_586 = arith.addi %add3A_585, %mul3A_584 : i32
      %get3A_587 = arith.index_cast %add3A_586 : i32 to index
      %get3A_588 = tpu.vector_load %arg8[%get3A_587] {strides = array<i32>} : memref<13312xf32, #tpu.memory_space<vmem>>, vector<16xf32>,
      %get3A_589 = vector.shape_cast %get3A_588 : vector<16xf32> to vector<16xf32>
      %get3A_590 = arith.constant 144 : index
      %get3A_591 = tpu.vector_load %arg9[%get3A_590] {strides = array<i32>} : memref<416xf32, #tpu.memory_space<vmem>>, vector<16xf32>,
      %get3A_592 = vector.shape_cast %get3A_591 : vector<16xf32> to vector<16xf32>
      %mul3A_593 = arith.mulf %get3A_589, %get3A_592 : vector<16xf32>
      %add3A_594 = arith.addf %add3A_582, %mul3A_593 : vector<16xf32>
      %mul3A_595 = arith.constant 16 : i32
      %mul3A_596 = arith.muli %scan3A_472, %mul3A_595 : i32
      %add3A_597 = arith.constant 5120 : i32
      %add3A_598 = arith.addi %add3A_597, %mul3A_596 : i32
      %get3A_599 = arith.index_cast %add3A_598 : i32 to index
      %get3A_600 = tpu.vector_load %arg8[%get3A_599] {strides = array<i32>} : memref<13312xf32, #tpu.memory_space<vmem>>, vector<16xf32>,
      %get3A_601 = vector.shape_cast %get3A_600 : vector<16xf32> to vector<16xf32>
      %get3A_602 = arith.constant 160 : index
      %get3A_603 = tpu.vector_load %arg9[%get3A_602] {strides = array<i32>} : memref<416xf32, #tpu.memory_space<vmem>>, vector<16xf32>,
      %get3A_604 = vector.shape_cast %get3A_603 : vector<16xf32> to vector<16xf32>
      %mul3A_605 = arith.mulf %get3A_601, %get3A_604 : vector<16xf32>
      %add3A_606 = arith.addf %add3A_594, %mul3A_605 : vector<16xf32>
      %mul3A_607 = arith.constant 16 : i32
      %mul3A_608 = arith.muli %scan3A_472, %mul3A_607 : i32
      %add3A_609 = arith.constant 5632 : i32
      %add3A_610 = arith.addi %add3A_609, %mul3A_608 : i32
      %get3A_611 = arith.index_cast %add3A_610 : i32 to index
      %get3A_612 = tpu.vector_load %arg8[%get3A_611] {strides = array<i32>} : memref<13312xf32, #tpu.memory_space<vmem>>, vector<16xf32>,
      %get3A_613 = vector.shape_cast %get3A_612 : vector<16xf32> to vector<16xf32>
      %get3A_614 = arith.constant 176 : index
      %get3A_615 = tpu.vector_load %arg9[%get3A_614] {strides = array<i32>} : memref<416xf32, #tpu.memory_space<vmem>>, vector<16xf32>,
      %get3A_616 = vector.shape_cast %get3A_615 : vector<16xf32> to vector<16xf32>
      %mul3A_617 = arith.mulf %get3A_613, %get3A_616 : vector<16xf32>
      %add3A_618 = arith.addf %add3A_606, %mul3A_617 : vector<16xf32>
      %mul3A_619 = arith.constant 16 : i32
      %mul3A_620 = arith.muli %scan3A_472, %mul3A_619 : i32
      %add3A_621 = arith.constant 6144 : i32
      %add3A_622 = arith.addi %add3A_621, %mul3A_620 : i32
      %get3A_623 = arith.index_cast %add3A_622 : i32 to index
      %get3A_624 = tpu.vector_load %arg8[%get3A_623] {strides = array<i32>} : memref<13312xf32, #tpu.memory_space<vmem>>, vector<16xf32>,
      %get3A_625 = vector.shape_cast %get3A_624 : vector<16xf32> to vector<16xf32>
      %get3A_626 = arith.constant 192 : index
      %get3A_627 = tpu.vector_load %arg9[%get3A_626] {strides = array<i32>} : memref<416xf32, #tpu.memory_space<vmem>>, vector<16xf32>,
      %get3A_628 = vector.shape_cast %get3A_627 : vector<16xf32> to vector<16xf32>
      %mul3A_629 = arith.mulf %get3A_625, %get3A_628 : vector<16xf32>
      %add3A_630 = arith.addf %add3A_618, %mul3A_629 : vector<16xf32>
      %mul3A_631 = arith.constant 16 : i32
      %mul3A_632 = arith.muli %scan3A_472, %mul3A_631 : i32
      %add3A_633 = arith.constant 6656 : i32
      %add3A_634 = arith.addi %add3A_633, %mul3A_632 : i32
      %get3A_635 = arith.index_cast %add3A_634 : i32 to index
      %get3A_636 = tpu.vector_load %arg8[%get3A_635] {strides = array<i32>} : memref<13312xf32, #tpu.memory_space<vmem>>, vector<16xf32>,
      %get3A_637 = vector.shape_cast %get3A_636 : vector<16xf32> to vector<16xf32>
      %get3A_638 = arith.constant 208 : index
      %get3A_639 = tpu.vector_load %arg9[%get3A_638] {strides = array<i32>} : memref<416xf32, #tpu.memory_space<vmem>>, vector<16xf32>,
      %get3A_640 = vector.shape_cast %get3A_639 : vector<16xf32> to vector<16xf32>
      %mul3A_641 = arith.mulf %get3A_637, %get3A_640 : vector<16xf32>
      %add3A_642 = arith.addf %add3A_630, %mul3A_641 : vector<16xf32>
      %mul3A_643 = arith.constant 16 : i32
      %mul3A_644 = arith.muli %scan3A_472, %mul3A_643 : i32
      %add3A_645 = arith.constant 7168 : i32
      %add3A_646 = arith.addi %add3A_645, %mul3A_644 : i32
      %get3A_647 = arith.index_cast %add3A_646 : i32 to index
      %get3A_648 = tpu.vector_load %arg8[%get3A_647] {strides = array<i32>} : memref<13312xf32, #tpu.memory_space<vmem>>, vector<16xf32>,
      %get3A_649 = vector.shape_cast %get3A_648 : vector<16xf32> to vector<16xf32>
      %get3A_650 = arith.constant 224 : index
      %get3A_651 = tpu.vector_load %arg9[%get3A_650] {strides = array<i32>} : memref<416xf32, #tpu.memory_space<vmem>>, vector<16xf32>,
      %get3A_652 = vector.shape_cast %get3A_651 : vector<16xf32> to vector<16xf32>
      %mul3A_653 = arith.mulf %get3A_649, %get3A_652 : vector<16xf32>
      %add3A_654 = arith.addf %add3A_642, %mul3A_653 : vector<16xf32>
      %mul3A_655 = arith.constant 16 : i32
      %mul3A_656 = arith.muli %scan3A_472, %mul3A_655 : i32
      %add3A_657 = arith.constant 7680 : i32
      %add3A_658 = arith.addi %add3A_657, %mul3A_656 : i32
      %get3A_659 = arith.index_cast %add3A_658 : i32 to index
      %get3A_660 = tpu.vector_load %arg8[%get3A_659] {strides = array<i32>} : memref<13312xf32, #tpu.memory_space<vmem>>, vector<16xf32>,
      %get3A_661 = vector.shape_cast %get3A_660 : vector<16xf32> to vector<16xf32>
      %get3A_662 = arith.constant 240 : index
      %get3A_663 = tpu.vector_load %arg9[%get3A_662] {strides = array<i32>} : memref<416xf32, #tpu.memory_space<vmem>>, vector<16xf32>,
      %get3A_664 = vector.shape_cast %get3A_663 : vector<16xf32> to vector<16xf32>
      %mul3A_665 = arith.mulf %get3A_661, %get3A_664 : vector<16xf32>
      %add3A_666 = arith.addf %add3A_654, %mul3A_665 : vector<16xf32>
      %mul3A_667 = arith.constant 16 : i32
      %mul3A_668 = arith.muli %scan3A_472, %mul3A_667 : i32
      %add3A_669 = arith.constant 8192 : i32
      %add3A_670 = arith.addi %add3A_669, %mul3A_668 : i32
      %get3A_671 = arith.index_cast %add3A_670 : i32 to index
      %get3A_672 = tpu.vector_load %arg8[%get3A_671] {strides = array<i32>} : memref<13312xf32, #tpu.memory_space<vmem>>, vector<16xf32>,
      %get3A_673 = vector.shape_cast %get3A_672 : vector<16xf32> to vector<16xf32>
      %get3A_674 = arith.constant 256 : index
      %get3A_675 = tpu.vector_load %arg9[%get3A_674] {strides = array<i32>} : memref<416xf32, #tpu.memory_space<vmem>>, vector<16xf32>,
      %get3A_676 = vector.shape_cast %get3A_675 : vector<16xf32> to vector<16xf32>
      %mul3A_677 = arith.mulf %get3A_673, %get3A_676 : vector<16xf32>
      %add3A_678 = arith.addf %add3A_666, %mul3A_677 : vector<16xf32>
      %mul3A_679 = arith.constant 16 : i32
      %mul3A_680 = arith.muli %scan3A_472, %mul3A_679 : i32
      %add3A_681 = arith.constant 8704 : i32
      %add3A_682 = arith.addi %add3A_681, %mul3A_680 : i32
      %get3A_683 = arith.index_cast %add3A_682 : i32 to index
      %get3A_684 = tpu.vector_load %arg8[%get3A_683] {strides = array<i32>} : memref<13312xf32, #tpu.memory_space<vmem>>, vector<16xf32>,
      %get3A_685 = vector.shape_cast %get3A_684 : vector<16xf32> to vector<16xf32>
      %get3A_686 = arith.constant 272 : index
      %get3A_687 = tpu.vector_load %arg9[%get3A_686] {strides = array<i32>} : memref<416xf32, #tpu.memory_space<vmem>>, vector<16xf32>,
      %get3A_688 = vector.shape_cast %get3A_687 : vector<16xf32> to vector<16xf32>
      %mul3A_689 = arith.mulf %get3A_685, %get3A_688 : vector<16xf32>
      %add3A_690 = arith.addf %add3A_678, %mul3A_689 : vector<16xf32>
      %mul3A_691 = arith.constant 16 : i32
      %mul3A_692 = arith.muli %scan3A_472, %mul3A_691 : i32
      %add3A_693 = arith.constant 9216 : i32
      %add3A_694 = arith.addi %add3A_693, %mul3A_692 : i32
      %get3A_695 = arith.index_cast %add3A_694 : i32 to index
      %get3A_696 = tpu.vector_load %arg8[%get3A_695] {strides = array<i32>} : memref<13312xf32, #tpu.memory_space<vmem>>, vector<16xf32>,
      %get3A_697 = vector.shape_cast %get3A_696 : vector<16xf32> to vector<16xf32>
      %get3A_698 = arith.constant 288 : index
      %get3A_699 = tpu.vector_load %arg9[%get3A_698] {strides = array<i32>} : memref<416xf32, #tpu.memory_space<vmem>>, vector<16xf32>,
      %get3A_700 = vector.shape_cast %get3A_699 : vector<16xf32> to vector<16xf32>
      %mul3A_701 = arith.mulf %get3A_697, %get3A_700 : vector<16xf32>
      %add3A_702 = arith.addf %add3A_690, %mul3A_701 : vector<16xf32>
      %mul3A_703 = arith.constant 16 : i32
      %mul3A_704 = arith.muli %scan3A_472, %mul3A_703 : i32
      %add3A_705 = arith.constant 9728 : i32
      %add3A_706 = arith.addi %add3A_705, %mul3A_704 : i32
      %get3A_707 = arith.index_cast %add3A_706 : i32 to index
      %get3A_708 = tpu.vector_load %arg8[%get3A_707] {strides = array<i32>} : memref<13312xf32, #tpu.memory_space<vmem>>, vector<16xf32>,
      %get3A_709 = vector.shape_cast %get3A_708 : vector<16xf32> to vector<16xf32>
      %get3A_710 = arith.constant 304 : index
      %get3A_711 = tpu.vector_load %arg9[%get3A_710] {strides = array<i32>} : memref<416xf32, #tpu.memory_space<vmem>>, vector<16xf32>,
      %get3A_712 = vector.shape_cast %get3A_711 : vector<16xf32> to vector<16xf32>
      %mul3A_713 = arith.mulf %get3A_709, %get3A_712 : vector<16xf32>
      %add3A_714 = arith.addf %add3A_702, %mul3A_713 : vector<16xf32>
      %mul3A_715 = arith.constant 16 : i32
      %mul3A_716 = arith.muli %scan3A_472, %mul3A_715 : i32
      %add3A_717 = arith.constant 10240 : i32
      %add3A_718 = arith.addi %add3A_717, %mul3A_716 : i32
      %get3A_719 = arith.index_cast %add3A_718 : i32 to index
      %get3A_720 = tpu.vector_load %arg8[%get3A_719] {strides = array<i32>} : memref<13312xf32, #tpu.memory_space<vmem>>, vector<16xf32>,
      %get3A_721 = vector.shape_cast %get3A_720 : vector<16xf32> to vector<16xf32>
      %get3A_722 = arith.constant 320 : index
      %get3A_723 = tpu.vector_load %arg9[%get3A_722] {strides = array<i32>} : memref<416xf32, #tpu.memory_space<vmem>>, vector<16xf32>,
      %get3A_724 = vector.shape_cast %get3A_723 : vector<16xf32> to vector<16xf32>
      %mul3A_725 = arith.mulf %get3A_721, %get3A_724 : vector<16xf32>
      %add3A_726 = arith.addf %add3A_714, %mul3A_725 : vector<16xf32>
      %mul3A_727 = arith.constant 16 : i32
      %mul3A_728 = arith.muli %scan3A_472, %mul3A_727 : i32
      %add3A_729 = arith.constant 10752 : i32
      %add3A_730 = arith.addi %add3A_729, %mul3A_728 : i32
      %get3A_731 = arith.index_cast %add3A_730 : i32 to index
      %get3A_732 = tpu.vector_load %arg8[%get3A_731] {strides = array<i32>} : memref<13312xf32, #tpu.memory_space<vmem>>, vector<16xf32>,
      %get3A_733 = vector.shape_cast %get3A_732 : vector<16xf32> to vector<16xf32>
      %get3A_734 = arith.constant 336 : index
      %get3A_735 = tpu.vector_load %arg9[%get3A_734] {strides = array<i32>} : memref<416xf32, #tpu.memory_space<vmem>>, vector<16xf32>,
      %get3A_736 = vector.shape_cast %get3A_735 : vector<16xf32> to vector<16xf32>
      %mul3A_737 = arith.mulf %get3A_733, %get3A_736 : vector<16xf32>
      %add3A_738 = arith.addf %add3A_726, %mul3A_737 : vector<16xf32>
      %mul3A_739 = arith.constant 16 : i32
      %mul3A_740 = arith.muli %scan3A_472, %mul3A_739 : i32
      %add3A_741 = arith.constant 11264 : i32
      %add3A_742 = arith.addi %add3A_741, %mul3A_740 : i32
      %get3A_743 = arith.index_cast %add3A_742 : i32 to index
      %get3A_744 = tpu.vector_load %arg8[%get3A_743] {strides = array<i32>} : memref<13312xf32, #tpu.memory_space<vmem>>, vector<16xf32>,
      %get3A_745 = vector.shape_cast %get3A_744 : vector<16xf32> to vector<16xf32>
      %get3A_746 = arith.constant 352 : index
      %get3A_747 = tpu.vector_load %arg9[%get3A_746] {strides = array<i32>} : memref<416xf32, #tpu.memory_space<vmem>>, vector<16xf32>,
      %get3A_748 = vector.shape_cast %get3A_747 : vector<16xf32> to vector<16xf32>
      %mul3A_749 = arith.mulf %get3A_745, %get3A_748 : vector<16xf32>
      %add3A_750 = arith.addf %add3A_738, %mul3A_749 : vector<16xf32>
      %mul3A_751 = arith.constant 16 : i32
      %mul3A_752 = arith.muli %scan3A_472, %mul3A_751 : i32
      %add3A_753 = arith.constant 11776 : i32
      %add3A_754 = arith.addi %add3A_753, %mul3A_752 : i32
      %get3A_755 = arith.index_cast %add3A_754 : i32 to index
      %get3A_756 = tpu.vector_load %arg8[%get3A_755] {strides = array<i32>} : memref<13312xf32, #tpu.memory_space<vmem>>, vector<16xf32>,
      %get3A_757 = vector.shape_cast %get3A_756 : vector<16xf32> to vector<16xf32>
      %get3A_758 = arith.constant 368 : index
      %get3A_759 = tpu.vector_load %arg9[%get3A_758] {strides = array<i32>} : memref<416xf32, #tpu.memory_space<vmem>>, vector<16xf32>,
      %get3A_760 = vector.shape_cast %get3A_759 : vector<16xf32> to vector<16xf32>
      %mul3A_761 = arith.mulf %get3A_757, %get3A_760 : vector<16xf32>
      %add3A_762 = arith.addf %add3A_750, %mul3A_761 : vector<16xf32>
      %mul3A_763 = arith.constant 16 : i32
      %mul3A_764 = arith.muli %scan3A_472, %mul3A_763 : i32
      %add3A_765 = arith.constant 12288 : i32
      %add3A_766 = arith.addi %add3A_765, %mul3A_764 : i32
      %get3A_767 = arith.index_cast %add3A_766 : i32 to index
      %get3A_768 = tpu.vector_load %arg8[%get3A_767] {strides = array<i32>} : memref<13312xf32, #tpu.memory_space<vmem>>, vector<16xf32>,
      %get3A_769 = vector.shape_cast %get3A_768 : vector<16xf32> to vector<16xf32>
      %get3A_770 = arith.constant 384 : index
      %get3A_771 = tpu.vector_load %arg9[%get3A_770] {strides = array<i32>} : memref<416xf32, #tpu.memory_space<vmem>>, vector<16xf32>,
      %get3A_772 = vector.shape_cast %get3A_771 : vector<16xf32> to vector<16xf32>
      %mul3A_773 = arith.mulf %get3A_769, %get3A_772 : vector<16xf32>
      %add3A_774 = arith.addf %add3A_762, %mul3A_773 : vector<16xf32>
      %mul3A_775 = arith.constant 16 : i32
      %mul3A_776 = arith.muli %scan3A_472, %mul3A_775 : i32
      %add3A_777 = arith.constant 12800 : i32
      %add3A_778 = arith.addi %add3A_777, %mul3A_776 : i32
      %get3A_779 = arith.index_cast %add3A_778 : i32 to index
      %get3A_780 = tpu.vector_load %arg8[%get3A_779] {strides = array<i32>} : memref<13312xf32, #tpu.memory_space<vmem>>, vector<16xf32>,
      %get3A_781 = vector.shape_cast %get3A_780 : vector<16xf32> to vector<16xf32>
      %get3A_782 = arith.constant 400 : index
      %get3A_783 = tpu.vector_load %arg9[%get3A_782] {strides = array<i32>} : memref<416xf32, #tpu.memory_space<vmem>>, vector<16xf32>,
      %get3A_784 = vector.shape_cast %get3A_783 : vector<16xf32> to vector<16xf32>
      %mul3A_785 = arith.mulf %get3A_781, %get3A_784 : vector<16xf32>
      %add3A_786 = arith.addf %add3A_774, %mul3A_785 : vector<16xf32>
      %neg3A = arith.constant 0.000000e+00 : f32
      %neg3A_787 = vector.broadcast %neg3A : f32 to vector<16xf32>
      %neg3A_788 = arith.subf %neg3A_787, %add3A_786 : vector<16xf32>
      %exp3A = math.exp %neg3A_788 : vector<16xf32>
      %add3A_789 = arith.constant 1.000000e+00 : f32
      %add3A_790 = vector.broadcast %add3A_789 : f32 to vector<16xf32>
      %add3A_791 = arith.addf %add3A_790, %exp3A : vector<16xf32>
      %div3A = arith.constant 1.000000e+00 : f32
      %div3A_792 = vector.broadcast %div3A : f32 to vector<16xf32>
      %div3A_793 = arith.divf %div3A_792, %add3A_791 : vector<16xf32>
      %mul3A_794 = arith.constant 16 : i32
      %mul3A_795 = arith.muli %scan3A_472, %mul3A_794 : i32
      %swap3A = arith.index_cast %mul3A_795 : i32 to index
      %swap3A_796 = tpu.vector_load %arg11[%swap3A] {strides = array<i32>} : memref<512xf32, #tpu.memory_space<vmem>>, vector<16xf32>,
      %swap3A_797 = vector.shape_cast %swap3A_796 : vector<16xf32> to vector<16xf32>
      %swap3A_798 = vector.shape_cast %div3A_793 : vector<16xf32> to vector<16xf32>
      tpu.vector_store %arg11[%swap3A], %swap3A_798 {strides = array<i32>} : memref<512xf32, #tpu.memory_space<vmem>>, vector<16xf32>,
    }
    %scan3A_471 = arith.constant 32 : i32
    "tpu.region"() ({
      %run_scoped3A = tpu.sem_alloc : memref<!tpu.dma_semaphore, #tpu.memory_space<semaphore_mem>>
      %dma_start3A_472 = tpu.memref_slice %arg6[%mul3A_2] : memref<16384xf32, #tpu.memory_space<hbm>> -> memref<512xf32, #tpu.memory_space<hbm>>
      %dma_start3A_473 = tpu.memref_slice %arg6[%mul3A_2] : memref<16384xf32, #tpu.memory_space<hbm>> -> memref<512xf32, #tpu.memory_space<hbm>>
      tpu.enqueue_dma source(%arg11 : memref<512xf32, #tpu.memory_space<vmem>>) target(%dma_start3A_473 : memref<512xf32, #tpu.memory_space<hbm>>) target_semaphore(%run_scoped3A : memref<!tpu.dma_semaphore, #tpu.memory_space<semaphore_mem>>)
      %dma_wait3A_474 = tpu.memref_slice %arg6[%mul3A_2] : memref<16384xf32, #tpu.memory_space<hbm>> -> memref<512xf32, #tpu.memory_space<hbm>>
      %dma_wait3A_475 = tpu.memref_slice %arg6[%mul3A_2] : memref<16384xf32, #tpu.memory_space<hbm>> -> memref<512xf32, #tpu.memory_space<hbm>>
      tpu.wait_dma2 semaphore(%run_scoped3A : memref<!tpu.dma_semaphore, #tpu.memory_space<semaphore_mem>>) src(%arg11 : memref<512xf32, #tpu.memory_space<vmem>>) dst(%dma_wait3A_475 : memref<512xf32, #tpu.memory_space<hbm>>)
      tpu.yield
    }) : () -> ()
    return
  }
}

</mosaic_0001>

<sc_bundles>
// kernel: kernel.3.cloned.1.call-start
scs
__scs_entry_jumppad:
0x0: {  	(pc) =	sbr.rel $0x88, $3  }
0x1: {  	(tag) =	ssettag $0x0;
	lr =	simm.s32 $0x1  }
0x2: {  	[smem:$0x3F9D] =	sst lr;
	_ =	strace $0xD0000000  }
0x3: {  	_ = 	snop  }
0x4: {  	_ = 	snop  }
0x5: {  	_ = 	snop  }
0x6: {  	_ = 	snop  }
0x7: {  	_ = 	snop  }
__scs_overlays_trampoline_lowered:
0x8: {  	[smem:$0x3FAC] =	sst s0  }
0x9: {  	[smem:$0x3FAD] =	sst s1  }
0xa: {  	[smem:$0x3FAE] =	sst s2  }
0xb: {  	[smem:$0x3FAF] =	sst s3  }
0xc: {  	[smem:$0x3FB0] =	sst s4  }
0xd: {  	[smem:$0x3FB1] =	sst s5  }
0xe: {  	[smem:$0x3FB2] =	sst s6  }
0xf: {  	[smem:$0x3FB3] =	sst s7  }
0x10: {  	[smem:$0x3FB4] =	sst s8  }
0x11: {  	[smem:$0x3FB5] =	sst s9;
	s0 =	simm.s32 @!p0 $0x0  }
0x12: {  	s1 =	sld [smem:$0x3F9B];
	s0 =	simm.s32 @p0 $0x1  }
0x13: {  	[smem:$0x3FB6] =	sst s0;
	s0 =	simm.s32 @!p1 $0x0  }
0x14: {  	s2 =	sld [smem:$0x3F9A];
	s0 =	simm.s32 @p1 $0x1  }
0x15: {  	[smem:$0x3FB7] =	sst s0;
	s0 =	simm.s32 @!p2 $0x0  }
0x16: {  	s3 =	sld [smem:$0x3FDB];
	s0 =	simm.s32 @p2 $0x1  }
0x17: {  	s4 =	simm.s32 $0x1BF5;
	[smem:$0x3FB9] =	sst s0  }
0x18: {  	s0 =	sld [smem:$0x3F9C];
	_ =	swait.ge [sflag:s4], $0x0  }
0x19: {  	s7 =	sld [smem:$0x3F9D]  }
0x1a: {  	s8 =	sadd.s32 $0xFFFFE003, lr  }
0x1b: {  	s9 =	sadd.s32 $0xFFFFFEF7, lr;
	s5 =	simm.s32 $0xFFFFFFFF;
	p2 =	slt.u32 s8, $0xFFFFF086  }
0x1c: {  	p1 =	slt.u32 s9, $0xF7A;
	s5 =	simm.s32 @!p2 $0x0  }
0x1d: {  	s5 =	simm.s32 @p1 $0x1;
	p0 =	seq.s32 s7, s2  }
0x1e: {  	s7 =	smul.u32 @!p0 $0xF7A, s2;
	p2 =	seq.s32 @!p0 s5, $0x0  }
0x1f: {  	s9 =	smul.u32 $0xF7A, s1;
	s8 =	simm.s32 @!p0 $0x1BF5;
	p2 =	por !p2, p0  }
0x20: {  	[sflag:s8] =	ssyncset.s32 @!p0 $0xFFFFF086;
	s6 =	sadd.s32 @!p0 s3, s7;
	s7 =	simm.s32 @!p0 $0x108  }
0x21: {  	s3 =	sadd.s32 s3, s9;
	s6 =	sadd.s32 @!p0 $0x88, s6;
	s7 =	simm.s32 @p2 $0x1082  }
0x22: {  	[simem:s7], [sflag:s8] =	dma.local @!p0 [hbm:s6], $0xF7A  }
0x23: {  	s9 =	sor.u32 $0xD0000000, s2;
	s6 =	simm.s32 $0x108;
	_ =	swait.ge @!p0 [sflag:s8], $0x0  }
0x24: {  	s3 =	sadd.s32 $0x88, s3;
	s6 =	simm.s32 @!p1 $0x1082;
	[sflag:s4] =	ssyncset.s32 $0xFFFFF086  }
0x25: {  	[simem:s6], [sflag:s4] =	dma.local [hbm:s3], $0xF7A  }
0x26: {  	[smem:$0x3F9D] =	sst s1;
	(tag) =	ssettag s2;
	_ =	strace s9  }
0x27: {  	s1 =	sld [smem:$0x3FAD]  }
0x28: {  	s2 =	sld [smem:$0x3FAE]  }
0x29: {  	s4 =	sld [smem:$0x3FB0]  }
0x2a: {  	p0 =	seq.s32 s5, $0x0;
	s5 =	sld [smem:$0x3FB1]  }
0x2b: {  	s6 =	sld [smem:$0x3FB2]  }
0x2c: {  	s7 =	sld [smem:$0x3FB3]  }
0x2d: {  	s3 =	simm.s32 $0x108;
	s8 =	sld [smem:$0x3FB4]  }
0x2e: {  	s3 =	simm.s32 @!p0 $0x1082;
	s9 =	sld [smem:$0x3FB5]  }
0x2f: {  	lr =	sadd.s32 s0, s3;
	s0 =	sld [smem:$0x3FAC]  }
0x30: {  	s3 =	sld [smem:$0x3FAF]  }
0x31: {  	[smem:$0x3FB8] =	sst s10  }
0x32: {  	s10 =	sld [smem:$0x3FB6];
	_ =	sdelay $0x3  }
0x33: {  	p0 =	seq.s32 s10, $0x1;
	s10 =	sld [smem:$0x3FB8];
	_ =	sdelay $0x3  }
0x34: {  	[smem:$0x3FB8] =	sst s10  }
0x35: {  	s10 =	sld [smem:$0x3FB7];
	_ =	sdelay $0x3  }
0x36: {  	p1 =	seq.s32 s10, $0x1;
	s10 =	sld [smem:$0x3FB8];
	_ =	sdelay $0x3  }
0x37: {  	[smem:$0x3FB8] =	sst s10  }
0x38: {  	s10 =	sld [smem:$0x3FB9]  }
0x39: {  	_ = 	snop;
	(pc) =	sbr.ind lr, $3  }
0x3a: {  	_ = 	snop  }
0x3b: {  	_ = 	snop  }
0x3c: {  	p2 =	seq.s32 s10, $0x1;
	s10 =	sld [smem:$0x3FB8]  }
0x3d: {  	_ =	shalt  }
0x3e: {  	_ =	shalt  }
0x3f: {  	_ =	shalt  }
0x40: {  	_ =	shalt  }
0x41: {  	_ =	shalt  }
0x42: {  	_ =	shalt  }
0x43: {  	_ =	shalt  }
0x44: {  	_ =	shalt  }
0x45: {  	_ =	shalt  }
0x46: {  	_ =	shalt  }
0x47: {  	_ =	shalt  }
0x48: {  	_ =	shalt  }
0x49: {  	_ =	shalt  }
0x4a: {  	_ =	shalt  }
0x4b: {  	_ =	shalt  }
0x4c: {  	_ =	shalt  }
0x4d: {  	_ =	shalt  }
0x4e: {  	_ =	shalt  }
0x4f: {  	_ =	shalt  }
0x50: {  	_ =	shalt  }
0x51: {  	_ =	shalt  }
0x52: {  	_ =	shalt  }
0x53: {  	_ =	shalt  }
0x54: {  	_ =	shalt  }
0x55: {  	_ =	shalt  }
0x56: {  	_ =	shalt  }
0x57: {  	_ =	shalt  }
0x58: {  	_ =	shalt  }
0x59: {  	_ =	shalt  }
0x5a: {  	_ =	shalt  }
0x5b: {  	_ =	shalt  }
0x5c: {  	_ =	shalt  }
0x5d: {  	_ =	shalt  }
0x5e: {  	_ =	shalt  }
0x5f: {  	_ =	shalt  }
0x60: {  	_ =	shalt  }
0x61: {  	_ =	shalt  }
0x62: {  	_ =	shalt  }
0x63: {  	_ =	shalt  }
0x64: {  	_ =	shalt  }
0x65: {  	_ =	shalt  }
0x66: {  	_ =	shalt  }
0x67: {  	_ =	shalt  }
0x68: {  	_ =	shalt  }
0x69: {  	_ =	shalt  }
0x6a: {  	_ =	shalt  }
0x6b: {  	_ =	shalt  }
0x6c: {  	_ =	shalt  }
0x6d: {  	_ =	shalt  }
0x6e: {  	_ =	shalt  }
0x6f: {  	_ =	shalt  }
0x70: {  	_ =	shalt  }
0x71: {  	_ =	shalt  }
0x72: {  	_ =	shalt  }
0x73: {  	_ =	shalt  }
0x74: {  	_ =	shalt  }
0x75: {  	_ =	shalt  }
0x76: {  	_ =	shalt  }
0x77: {  	_ =	shalt  }
0x78: {  	_ =	shalt  }
0x79: {  	_ =	shalt  }
0x7a: {  	_ =	shalt  }
0x7b: {  	_ =	shalt  }
0x7c: {  	_ =	shalt  }
0x7d: {  	_ =	shalt  }
0x7e: {  	_ =	shalt  }
0x7f: {  	_ =	shalt  }
0x80: {  	_ =	shalt  }
0x81: {  	_ =	shalt  }
0x82: {  	_ =	shalt  }
0x83: {  	_ =	shalt  }
0x84: {  	_ =	shalt  }
0x85: {  	_ =	shalt  }
0x86: {  	_ =	shalt  }
0x87: {  	_ =	shalt  }
.Lfunc_end0:
.L_simem_size_0:
called_computation_lowered:
.L_overlay_start_0:
0x88: {  	s2 =	sld [smem:$0x3FD9]  }
0x89: {  	s3 =	sld [smem:$0x3FFE];
	_ =	sdelay $0x1  }
0x8a: {  	s1 =	srdreg.scid  }
0x8b: {  	s0 =	sand.u32 $0x1, s1  }
0x8c: {  	s17 =	sshll.u32 s0, $0xA;
	s2 =	sadd.s32 s3, s2  }
0x8d: {  	s2 =	sadd.s32 s2, s17  }
0x8e: {  	[smem:$0x3FC4] =	sst s2  }
0x8f: {  	_ = 	snop  }
0x90: {  	s2 =	sld [smem:$0x3FD0];
	(tm) =	ssettm $0x1  }
0x91: {  	s18 =	sld [smem:$0x3FFB];
	_ =	sdelay $0x3  }
0x92: {  	_ =	strace s18  }
0x93: {  	s3 =	sld [smem:$0x3FFC];
	_ =	sdelay $0x3  }
0x94: {  	_ =	strace s3  }
0x95: {  	s3 =	sld [smem:$0x3FFD];
	_ =	sdelay $0x3  }
0x96: {  	_ =	strace s3  }
0x97: {  	_ =	strace $0x8FFFFFFF  }
0x98: {  	s19 =	sld [smem:$0x3FDB];
	_ =	sdelay $0x1  }
0x99: {  	s4 =	simm.s32 $_scs_section_size  }
0x9a: {  	s5 =	simm.s32 $_size__tile_overlayer_lowered;
	s6 =	simm.s32 $_tile_overlayer_lowered  }
0x9b: {  	s22 =	simm.s32 $0x1BFF;
	s21 =	sshll.u32 s6, $0x1;
	s3 =	sadd.s32 s4, s19  }
0x9c: {  	s7 =	simm.s32 $0x0;
	s20 =	sshll.u32 s5, $0x1;
	s5 =	sadd.s32 s21, s3  }
0x9d: {  	[timem:s7], [sflag:s22] =	dma.local [hbm:s5], s20  }
0x9e: {  	_ =	swait.ge [sflag:s22], s20  }
0x9f: {  	s4 =	ssub.s32 $0x0, s20;
	[sflag:s22] =	ssyncset.done $0x0  }
0xa0: {  	[sflag:s22] =	ssyncadd.s32 s4;
	_ =	sdelay $0x1  }
0xa1: {  	s23 =	simm.s32 $0x1B8B  }
0xa2: {  	_ =	swait.ge [sflag:s23], $0x1  }
0xa3: {  	[sflag:s23] =	ssyncset.done $0x0  }
0xa4: {  	s25 =	simm.s32 $0x1B8E;
	s24 =	sld [smem:$0x3FFE];
	[sflag:s23] =	ssyncadd.s32 $0xFFFFFFFF  }
0xa5: {  	s26 =	simm.s32 $execute0_lowered;
	[smem:$0x3FD2] =	sst s25  }
0xa6: {  	s5 =	sshll.u32 s26, $0x1;
	_ =	strace $0x80000046;
	[dreg:$0x1] =	wrdreg $0xFFFFFFFF  }
0xa7: {  	s28 =	simm.s32 $_size_execute0_lowered;
	s3 =	sadd.s32 s3, s5;
	[dreg:$0x0] =	wrdreg $0x0  }
0xa8: {  	s5 =	sshll.u32 s28, $0x1;
	[dreg:$0x2] =	wrdreg s3  }
0xa9: {  	[dreg:$0x3] =	wrdreg s5  }
0xaa: {  	[dreg:$0x4] =	wrdreg $0xC0  }
0xab: {  	_ =	task [dreg:s7], $0x5FFFF  }
0xac: {  	[dreg:$0x1] =	wrdreg $0xFFFFFFFF  }
0xad: {  	[dreg:$0x0] =	wrdreg $0x60  }
0xae: {  	[dreg:$0x2] =	wrdreg s24  }
0xaf: {  	[dreg:$0x3] =	wrdreg s2  }
0xb0: {  	[dreg:$0x4] =	wrdreg $0x9  }
0xb1: {  	_ =	task.clear_ibuf [dreg:s7], $0x5FFFF;
	_ =	strace $0x90000046  }
0xb2: {  	s29 =	simm.s32 $0x9;
	_ =	strace $0x80000048  }
0xb3: {  	_ =	swait.ge [sflag:s29], $0x1  }
0xb4: {  	[sflag:s29] =	ssyncadd.s32 $0xFFFFFFFF  }
0xb5: {  	_ =	strace $0x90000048  }
0xb6: {  	_ =	sfence  }
0xb7: {  	s30 =	sld [smem:$0x0];
	_ =	sdelay $0x2  }
0xb8: {  	s31 =	sshll.u32 s1, $0xD;
	s1 =	sshrl.u32 s1, $0x2  }
0xb9: {  	s3 =	sand.u32 $0x4000, s31;
	s1 =	sadd.s32 s1, s30  }
0xba: {  	s0 =	sor.u32 s3, s0;
	s1 =	sshll.u32 s1, $0x11  }
0xbb: {  	s0 =	sor.u32 s1, s0  }
0xbc: {  	s0 =	sadd.s32 $0x8F2B, s0  }
0xbd: {  	[sflag:s0] =	ssyncadd.remote.s32 $0x1  }
0xbe: {  	_ =	sfence.sel $0xFFFF  }
0xbf: {  	[dreg:$0x0] =	wrdreg $0xFFFFFFFF;
	(pc) =	sbr.abs _section_cstart, $3  }
0xc0: {  	[dreg:$0x1] =	wrdreg $0xFFFFFFFF  }
0xc1: {  	_ =	task.clear_ibuf [dreg:s7], $0x2FFFF;
	_ =	strace $0x9FFFFFFF  }
0xc2: {  	(tm) =	ssettm $0x7FFFFFFF  }
0xc3: {  	_ =	shalt  }
tec
execute0_lowered:
.L_overlay_start_1:
0x0: {  	(tag) =	ssettag $0x1  }
0x1: {  	s0 =	srdreg.scid  }
0x2: {  	s3 =	stileid.u32;
	s0 =	sand.u32 $0x1, s0  }
0x3: {  	s4 =	sshll.u32 s3, $0x7;
	s5 =	sshll.u32 s0, $0x6  }
0x4: {  	s2 =	rddreg [dreg:$0x0];
	s4 =	sor.u32 s5, s4  }
0x5: {  	s1 =	rddreg [dreg:$0x1];
	s3 =	simm.s32 $0x0;
	s5 =	sadd.s32 s4, s2  }
0x6: {  	s8 =	simm.s32 $0x680;
	[smem:$0x7FF] =	sst s3;
	s6 =	sadd.s32 $0x319800, s5  }
0x7: {  	_ =	strace $0x80000047;
	s17 =	sadd.s32 $0x31A000, s5;
	[dreg:$0x3] =	wrdreg s6  }
0x8: {  	s9 =	simm.s32 $0x0;
	s18 =	sadd.s32 $0x31A800, s5;
	[dreg:$0x4] =	wrdreg s17  }
0x9: {  	s0 =	ssub.s32 $0x2, s0;
	s19 =	sadd.s32 $0x31B000, s5;
	[dreg:$0x5] =	wrdreg s18  }
0xa: {  	s20 =	sshrl.u32 s0, $0x1;
	s7 =	sadd.s32 $0x31B800, s5;
	[dreg:$0x6] =	wrdreg s19  }
0xb: {  	s0 =	ssub.s32 s0, s20;
	s21 =	sadd.s32 $0x31C800, s5;
	[dreg:$0x7] =	wrdreg s7  }
0xc: {  	s22 =	sadd.s32 $0x31C000, s5;
	s23 =	sadd.s32 $0x31D000, s5;
	[dreg:$0x8] =	wrdreg s21  }
0xd: {  	s24 =	sadd.s32 $0x31D800, s5;
	s25 =	sadd.s32 $0x31E000, s5;
	[dreg:$0x9] =	wrdreg s22  }
0xe: {  	s26 =	sadd.s32 $0x31E800, s5;
	s15 =	sadd.s32 $0x31F000, s5;
	[dreg:$0xa] =	wrdreg s23  }
0xf: {  	s16 =	sadd.s32 $0x31F800, s5;
	s20 =	sadd.s32 $0x321800, s5;
	[dreg:$0xb] =	wrdreg s24  }
0x10: {  	s28 =	sadd.s32 $0x324000, s5;
	s29 =	sadd.s32 $0x325000, s5;
	[dreg:$0xc] =	wrdreg s25  }
0x11: {  	s30 =	sadd.s32 $0x325800, s5;
	s31 =	sadd.s32 $0x326000, s5;
	[dreg:$0xd] =	wrdreg s26  }
0x12: {  	s17 =	sadd.s32 $0x320800, s5;
	s18 =	sadd.s32 $0x320000, s5;
	s19 =	sadd.s32 $0x321000, s5  }
0x13: {  	s21 =	sadd.s32 $0x322000, s5;
	s22 =	sadd.s32 $0x322800, s5;
	s23 =	sadd.s32 $0x323000, s5  }
0x14: {  	s24 =	sadd.s32 s1, s4;
	s25 =	sadd.s32 $0x323800, s5;
	s26 =	sadd.s32 $0x324800, s5  }
0x15: {  	s1 =	smax.u32 s0, $0x1;
	s0 =	sadd.s32 $0x326800, s2;
	s4 =	sadd.s32 $0x326A00, s2  }
0x16: {  	s5 =	simm.s32 $0x1A00;
	s6 =	simm.s32 $0x2;
	s7 =	simm.s32 $0x1  }
.LBB2_1:
0x17: {  	s10 =	rddreg [dreg:$0x3]  }
0x18: {  	[tilespmem:s3], [sflag:$0x1] =	stream.linear.gather [hbm4b:s10+s3], $0x200, $0x38;
	[tilespmem:$0x6C80] =	vst v63  }
0x19: {  	s14 =	rddreg [dreg:$0x4];
	s11 =	simm.s32 $0x200  }
0x1a: {  	[tilespmem:s11], [sflag:$0x1] =	stream.linear.gather [hbm4b:s14+s3], $0x200, $0x38;
	[tilespmem:$0x6C80] =	vst v63  }
0x1b: {  	s12 =	simm.s32 $0x400;
	s11 =	rddreg [dreg:$0x5]  }
0x1c: {  	[tilespmem:s12], [sflag:$0x1] =	stream.linear.gather [hbm4b:s11+s3], $0x200, $0x38;
	[tilespmem:$0x6C80] =	vst v63  }
0x1d: {  	s13 =	rddreg [dreg:$0x6];
	s14 =	simm.s32 $0x600  }
0x1e: {  	[tilespmem:s14], [sflag:$0x1] =	stream.linear.gather [hbm4b:s13+s3], $0x200, $0x38;
	[tilespmem:$0x6C80] =	vst v63  }
0x1f: {  	s11 =	rddreg [dreg:$0x7];
	s12 =	simm.s32 $0x800  }
0x20: {  	[tilespmem:s12], [sflag:$0x1] =	stream.linear.gather [hbm4b:s11+s3], $0x200, $0x38;
	[tilespmem:$0x6C80] =	vst v63  }
0x21: {  	s13 =	rddreg [dreg:$0x9];
	s14 =	simm.s32 $0xA00  }
0x22: {  	[tilespmem:s14], [sflag:$0x1] =	stream.linear.gather [hbm4b:s13+s3], $0x200, $0x38;
	[tilespmem:$0x6C80] =	vst v63  }
0x23: {  	s11 =	rddreg [dreg:$0x8];
	s12 =	simm.s32 $0xC00  }
0x24: {  	[tilespmem:s12], [sflag:$0x1] =	stream.linear.gather [hbm4b:s11+s3], $0x200, $0x38;
	[tilespmem:$0x6C80] =	vst v63  }
0x25: {  	s13 =	rddreg [dreg:$0xa];
	s14 =	simm.s32 $0xE00  }
0x26: {  	[tilespmem:s14], [sflag:$0x1] =	stream.linear.gather [hbm4b:s13+s3], $0x200, $0x38;
	[tilespmem:$0x6C80] =	vst v63  }
0x27: {  	s11 =	rddreg [dreg:$0xb];
	s12 =	simm.s32 $0x1000  }
0x28: {  	[tilespmem:s12], [sflag:$0x1] =	stream.linear.gather [hbm4b:s11+s3], $0x200, $0x38;
	[tilespmem:$0x6C80] =	vst v63  }
0x29: {  	s13 =	rddreg [dreg:$0xc];
	s14 =	simm.s32 $0x1200  }
0x2a: {  	[tilespmem:s14], [sflag:$0x1] =	stream.linear.gather [hbm4b:s13+s3], $0x200, $0x38;
	[tilespmem:$0x6C80] =	vst v63  }
0x2b: {  	s12 =	rddreg [dreg:$0xd];
	s13 =	simm.s32 $0x1400  }
0x2c: {  	[tilespmem:s13], [sflag:$0x1] =	stream.linear.gather [hbm4b:s12+s3], $0x200, $0x38;
	[tilespmem:$0x6C80] =	vst v63  }
0x2d: {  	s14 =	simm.s32 $0x1600  }
0x2e: {  	[tilespmem:s14], [sflag:$0x1] =	stream.linear.gather [hbm4b:s15+s3], $0x200, $0x38;
	[tilespmem:$0x6C80] =	vst v63  }
0x2f: {  	s11 =	simm.s32 $0x1800  }
0x30: {  	[tilespmem:s11], [sflag:$0x1] =	stream.linear.gather [hbm4b:s16+s3], $0x200, $0x38;
	[tilespmem:$0x6C80] =	vst v63  }
0x31: {  	_ = 	snop  }
0x32: {  	[tilespmem:s5], [sflag:$0x1] =	stream.linear.gather [hbm4b:s18+s3], $0x200, $0x38;
	[tilespmem:$0x6C80] =	vst v63  }
0x33: {  	s12 =	simm.s32 $0x1C00  }
0x34: {  	[tilespmem:s12], [sflag:$0x1] =	stream.linear.gather [hbm4b:s17+s3], $0x200, $0x38;
	[tilespmem:$0x6C80] =	vst v63  }
0x35: {  	s13 =	simm.s32 $0x1E00  }
0x36: {  	[tilespmem:s13], [sflag:$0x1] =	stream.linear.gather [hbm4b:s19+s3], $0x200, $0x38;
	[tilespmem:$0x6C80] =	vst v63  }
0x37: {  	s14 =	simm.s32 $0x2000  }
0x38: {  	[tilespmem:s14], [sflag:$0x1] =	stream.linear.gather [hbm4b:s20+s3], $0x200, $0x38;
	[tilespmem:$0x6C80] =	vst v63  }
0x39: {  	s11 =	simm.s32 $0x2200  }
0x3a: {  	[tilespmem:s11], [sflag:$0x1] =	stream.linear.gather [hbm4b:s21+s3], $0x200, $0x38;
	[tilespmem:$0x6C80] =	vst v63  }
0x3b: {  	s12 =	simm.s32 $0x2400  }
0x3c: {  	[tilespmem:s12], [sflag:$0x1] =	stream.linear.gather [hbm4b:s22+s3], $0x200, $0x38;
	[tilespmem:$0x6C80] =	vst v63  }
0x3d: {  	s13 =	simm.s32 $0x2600  }
0x3e: {  	[tilespmem:s13], [sflag:$0x1] =	stream.linear.gather [hbm4b:s23+s3], $0x200, $0x38;
	[tilespmem:$0x6C80] =	vst v63  }
0x3f: {  	s14 =	simm.s32 $0x2800  }
0x40: {  	[tilespmem:s14], [sflag:$0x1] =	stream.linear.gather [hbm4b:s25+s3], $0x200, $0x38;
	[tilespmem:$0x6C80] =	vst v63  }
0x41: {  	s11 =	simm.s32 $0x2A00  }
0x42: {  	[tilespmem:s11], [sflag:$0x1] =	stream.linear.gather [hbm4b:s28+s3], $0x200, $0x38;
	[tilespmem:$0x6C80] =	vst v63  }
0x43: {  	s12 =	simm.s32 $0x2C00  }
0x44: {  	[tilespmem:s12], [sflag:$0x1] =	stream.linear.gather [hbm4b:s26+s3], $0x200, $0x38;
	[tilespmem:$0x6C80] =	vst v63  }
0x45: {  	s13 =	simm.s32 $0x2E00  }
0x46: {  	[tilespmem:s13], [sflag:$0x1] =	stream.linear.gather [hbm4b:s29+s3], $0x200, $0x38;
	[tilespmem:$0x6C80] =	vst v63  }
0x47: {  	s14 =	simm.s32 $0x3000  }
0x48: {  	[tilespmem:s14], [sflag:$0x1] =	stream.linear.gather [hbm4b:s30+s3], $0x200, $0x38;
	[tilespmem:$0x6C80] =	vst v63  }
0x49: {  	s11 =	simm.s32 $0x3200  }
0x4a: {  	[tilespmem:s11], [sflag:$0x1] =	stream.linear.gather [hbm4b:s31+s3], $0x200, $0x38;
	[tilespmem:$0x6C80] =	vst v63  }
0x4b: {  	s12 =	simm.s32 $0x6800  }
0x4c: {  	[tilespmem:s12], [sflag:$0x2] =	stream.linear.gather [hbm4b:s0+s3], $0x200, $0x38;
	[tilespmem:$0x6C80] =	vst v63  }
0x4d: {  	_ =	swait.ge [sflag:s6], $0x200  }
0x4e: {  	[sflag:s6] =	ssyncset.done $0x0  }
0x4f: {  	s13 =	simm.s32 $0x6A00;
	[sflag:s6] =	ssyncadd.s32 $0xFFFFFE00  }
0x50: {  	[tilespmem:s13], [sflag:$0x2] =	stream.linear.gather [hbm4b:s4+s3], $0x80, $0x38;
	[tilespmem:$0x6C80] =	vst v63  }
0x51: {  	_ =	swait.ge [sflag:s6], $0x80  }
0x52: {  	[sflag:s6] =	ssyncset.done $0x0  }
0x53: {  	[sflag:s6] =	ssyncadd.s32 $0xFFFFFF80  }
0x54: {  	_ =	swait.ge [sflag:s7], $0x200  }
0x55: {  	[sflag:s7] =	ssyncset.done $0x0  }
0x56: {  	[sflag:s7] =	ssyncadd.s32 $0xFFFFFE00  }
0x57: {  	_ =	swait.ge [sflag:s7], $0x200  }
0x58: {  	[sflag:s7] =	ssyncset.done $0x0  }
0x59: {  	[sflag:s7] =	ssyncadd.s32 $0xFFFFFE00  }
0x5a: {  	_ =	swait.ge [sflag:s7], $0x200  }
0x5b: {  	[sflag:s7] =	ssyncset.done $0x0  }
0x5c: {  	[sflag:s7] =	ssyncadd.s32 $0xFFFFFE00  }
0x5d: {  	_ =	swait.ge [sflag:s7], $0x200  }
0x5e: {  	[sflag:s7] =	ssyncset.done $0x0  }
0x5f: {  	[sflag:s7] =	ssyncadd.s32 $0xFFFFFE00  }
0x60: {  	_ =	swait.ge [sflag:s7], $0x200  }
0x61: {  	[sflag:s7] =	ssyncset.done $0x0  }
0x62: {  	[sflag:s7] =	ssyncadd.s32 $0xFFFFFE00  }
0x63: {  	_ =	swait.ge [sflag:s7], $0x200  }
0x64: {  	[sflag:s7] =	ssyncset.done $0x0  }
0x65: {  	[sflag:s7] =	ssyncadd.s32 $0xFFFFFE00  }
0x66: {  	_ =	swait.ge [sflag:s7], $0x200  }
0x67: {  	[sflag:s7] =	ssyncset.done $0x0  }
0x68: {  	[sflag:s7] =	ssyncadd.s32 $0xFFFFFE00  }
0x69: {  	_ =	swait.ge [sflag:s7], $0x200  }
0x6a: {  	[sflag:s7] =	ssyncset.done $0x0  }
0x6b: {  	[sflag:s7] =	ssyncadd.s32 $0xFFFFFE00  }
0x6c: {  	_ =	swait.ge [sflag:s7], $0x200  }
0x6d: {  	[sflag:s7] =	ssyncset.done $0x0  }
0x6e: {  	[sflag:s7] =	ssyncadd.s32 $0xFFFFFE00  }
0x6f: {  	_ =	swait.ge [sflag:s7], $0x200  }
0x70: {  	[sflag:s7] =	ssyncset.done $0x0  }
0x71: {  	[sflag:s7] =	ssyncadd.s32 $0xFFFFFE00  }
0x72: {  	_ =	swait.ge [sflag:s7], $0x200  }
0x73: {  	[sflag:s7] =	ssyncset.done $0x0  }
0x74: {  	[sflag:s7] =	ssyncadd.s32 $0xFFFFFE00  }
0x75: {  	_ =	swait.ge [sflag:s7], $0x200  }
0x76: {  	[sflag:s7] =	ssyncset.done $0x0  }
0x77: {  	[sflag:s7] =	ssyncadd.s32 $0xFFFFFE00  }
0x78: {  	_ =	swait.ge [sflag:s7], $0x200  }
0x79: {  	[sflag:s7] =	ssyncset.done $0x0  }
0x7a: {  	[sflag:s7] =	ssyncadd.s32 $0xFFFFFE00  }
0x7b: {  	_ =	swait.ge [sflag:s7], $0x200  }
0x7c: {  	[sflag:s7] =	ssyncset.done $0x0  }
0x7d: {  	[sflag:s7] =	ssyncadd.s32 $0xFFFFFE00  }
0x7e: {  	_ =	swait.ge [sflag:s7], $0x200  }
0x7f: {  	[sflag:s7] =	ssyncset.done $0x0  }
0x80: {  	[sflag:s7] =	ssyncadd.s32 $0xFFFFFE00  }
0x81: {  	_ =	swait.ge [sflag:s7], $0x200  }
0x82: {  	[sflag:s7] =	ssyncset.done $0x0  }
0x83: {  	[sflag:s7] =	ssyncadd.s32 $0xFFFFFE00  }
0x84: {  	_ =	swait.ge [sflag:s7], $0x200  }
0x85: {  	[sflag:s7] =	ssyncset.done $0x0  }
0x86: {  	[sflag:s7] =	ssyncadd.s32 $0xFFFFFE00  }
0x87: {  	_ =	swait.ge [sflag:s7], $0x200  }
0x88: {  	[sflag:s7] =	ssyncset.done $0x0  }
0x89: {  	[sflag:s7] =	ssyncadd.s32 $0xFFFFFE00  }
0x8a: {  	_ =	swait.ge [sflag:s7], $0x200  }
0x8b: {  	[sflag:s7] =	ssyncset.done $0x0  }
0x8c: {  	[sflag:s7] =	ssyncadd.s32 $0xFFFFFE00  }
0x8d: {  	_ =	swait.ge [sflag:s7], $0x200  }
0x8e: {  	[sflag:s7] =	ssyncset.done $0x0  }
0x8f: {  	[sflag:s7] =	ssyncadd.s32 $0xFFFFFE00  }
0x90: {  	_ =	swait.ge [sflag:s7], $0x200  }
0x91: {  	[sflag:s7] =	ssyncset.done $0x0  }
0x92: {  	[sflag:s7] =	ssyncadd.s32 $0xFFFFFE00  }
0x93: {  	_ =	swait.ge [sflag:s7], $0x200  }
0x94: {  	[sflag:s7] =	ssyncset.done $0x0  }
0x95: {  	[sflag:s7] =	ssyncadd.s32 $0xFFFFFE00  }
0x96: {  	_ =	swait.ge [sflag:s7], $0x200  }
0x97: {  	[sflag:s7] =	ssyncset.done $0x0  }
0x98: {  	[sflag:s7] =	ssyncadd.s32 $0xFFFFFE00  }
0x99: {  	_ =	swait.ge [sflag:s7], $0x200  }
0x9a: {  	[sflag:s7] =	ssyncset.done $0x0  }
0x9b: {  	[sflag:s7] =	ssyncadd.s32 $0xFFFFFE00  }
0x9c: {  	_ =	swait.ge [sflag:s7], $0x200  }
0x9d: {  	[sflag:s7] =	ssyncset.done $0x0  }
0x9e: {  	[sflag:s7] =	ssyncadd.s32 $0xFFFFFE00  }
0x9f: {  	_ =	swait.ge [sflag:s7], $0x200  }
0xa0: {  	[sflag:s7] =	ssyncset.done $0x0  }
0xa1: {  	s10 =	simm.s32 $0x40;
	[sflag:s7] =	ssyncadd.s32 $0xFFFFFE00  }
0xa2: {  	v1 =	vld [tilespmem:s10+$0xFFFFFFC0]  }
0xa3: {  	v3 =	vld [tilespmem:s10+$0xFFFFFFD0]  }
0xa4: {  	s14 =	simm.s32 $0x0;
	v4 =	vld [tilespmem:s10+$0xFFFFFFE0]  }
0xa5: {  	s11 =	smul.u32 $0xF4240, s14;
	v2 =	vld [tilespmem:s10+$0x0]  }
0xa6: {  	v0 =	vld [tilespmem:s10+$0x10]  }
0xa7: {  	v5 =	vadd.s32 s11, v1;
	v1 =	vld [tilespmem:s10+$0x20]  }
0xa8: {  	[tilespmem:s10+$0xFFFFFFC0] =	vst v5;
	v5 =	vadd.s32 s11, v3;
	v3 =	vld [tilespmem:s10+$0x30]  }
0xa9: {  	s12 =	simm.s32 $0x0;
	s13 =	simm.s32 $0xC0;
	[tilespmem:s10+$0xFFFFFFD0] =	vst v5;
	v5 =	vadd.s32 s11, v4;
	v4 =	vld [tilespmem:s10+$0xFFFFFFF0]  }
.LBB2_2:
0xaa: {  	v6 =	vld [tilespmem:s13+$0xFFFFFFC0];
	[tilespmem:s10+$0xFFFFFFE0] =	vst v5;
	v2 =	vadd.s32 s11, v2;
	s12 =	sadd.s32 $0x8, s12  }
0xab: {  	v5 =	vld [tilespmem:s13+$0xFFFFFFD0];
	[tilespmem:s10+$0x0] =	vst v2;
	v0 =	vadd.s32 s11, v0;
	s14 =	sshrl.u32 s12, $0x5  }
0xac: {  	p0 =	slt.u32 s12, $0x338;
	v7 =	vld [tilespmem:s13+$0xFFFFFFE0];
	[tilespmem:s10+$0x10] =	vst v0;
	v0 =	vadd.s32 s11, v1;
	s14 =	smul.u32 $0xF4240, s14  }
.Ltmp0:
0xad: {  	v2 =	vld [tilespmem:s13+$0x0];
	[tilespmem:s10+$0x20] =	vst v0;
	v1 =	vadd.s32 s11, v3;
	(pc) =	sbr.rel @p0 .LBB2_2-.Ltmp0, $4  }
0xae: {  	v0 =	vld [tilespmem:s13+$0x10];
	v3 =	vadd.s32 s11, v4;
	[tilespmem:s10+$0x30] =	vst v1  }
0xaf: {  	s11 =	smov.u32 s14;
	v4 =	vadd.s32 s14, v6;
	v1 =	vld [tilespmem:s13+$0x20];
	[tilespmem:s10+$0xFFFFFFF0] =	vst v3;
	s10 =	smov.u32 s13  }
0xb0: {  	[tilespmem:s13+$0xFFFFFFC0] =	vst v4;
	v4 =	vadd.s32 s11, v5;
	v3 =	vld [tilespmem:s13+$0x30]  }
0xb1: {  	s13 =	sadd.s32 $0x80, s13;
	[tilespmem:s10+$0xFFFFFFD0] =	vst v4;
	v5 =	vadd.s32 s11, v7;
	v4 =	vld [tilespmem:s10+$0xFFFFFFF0]  }
0xb2: {  	[tilespmem:s10+$0xFFFFFFE0] =	vst v5;
	v2 =	vadd.s32 s11, v2  }
0xb3: {  	[tilespmem:s10+$0x0] =	vst v2;
	v0 =	vadd.s32 s11, v0  }
0xb4: {  	[tilespmem:s10+$0x10] =	vst v0;
	v0 =	vadd.s32 s11, v1  }
0xb5: {  	[tilespmem:s10+$0x20] =	vst v0;
	v0 =	vadd.s32 s11, v3  }
0xb6: {  	v1 =	vadd.s32 s11, v4;
	[tilespmem:s10+$0x30] =	vst v0  }
0xb7: {  	s11 =	simm.s32 $0x3400;
	[tilespmem:s10+$0xFFFFFFF0] =	vst v1;
	s10 =	simm.s32 $0x0  }
0xb8: {  	[tilespmem:s11], [sflag:$0x1] =	stream.indirect.gather [hbm4b:s2+s8], $0x1, s10, s8, $0xb8;
	[tilespmem:$0x6C80] =	vst v63  }
0xb9: {  	s12 =	simm.s32 $0x3A80  }
0xba: {  	[tilespmem:s12], [sflag:$0x1] =	stream.indirect.gather [hbm4b:s2+s8], $0x1, s8, s8, $0xb8;
	[tilespmem:$0x6C80] =	vst v63  }
0xbb: {  	s14 =	simm.s32 $0xD00;
	s13 =	simm.s32 $0x4100  }
0xbc: {  	[tilespmem:s13], [sflag:$0x1] =	stream.indirect.gather [hbm4b:s2+s8], $0x1, s14, s8, $0xb8;
	[tilespmem:$0x6C80] =	vst v63  }
0xbd: {  	s13 =	simm.s32 $0x1380;
	s14 =	simm.s32 $0x4780  }
0xbe: {  	[tilespmem:s14], [sflag:$0x1] =	stream.indirect.gather [hbm4b:s2+s8], $0x1, s13, s8, $0xb8;
	[tilespmem:$0x6C80] =	vst v63  }
0xbf: {  	s14 =	simm.s32 $0x4E00  }
0xc0: {  	[tilespmem:s14], [sflag:$0x1] =	stream.indirect.gather [hbm4b:s2+s8], $0x1, s5, s8, $0xb8;
	[tilespmem:$0x6C80] =	vst v63  }
0xc1: {  	s13 =	simm.s32 $0x2080;
	s14 =	simm.s32 $0x5480  }
0xc2: {  	[tilespmem:s14], [sflag:$0x1] =	stream.indirect.gather [hbm4b:s2+s8], $0x1, s13, s8, $0xb8;
	[tilespmem:$0x6C80] =	vst v63  }
0xc3: {  	s13 =	simm.s32 $0x2700;
	s14 =	simm.s32 $0x5B00  }
0xc4: {  	[tilespmem:s14], [sflag:$0x1] =	stream.indirect.gather [hbm4b:s2+s8], $0x1, s13, s8, $0xb8;
	[tilespmem:$0x6C80] =	vst v63  }
0xc5: {  	s13 =	simm.s32 $0x2D80;
	s14 =	simm.s32 $0x6180  }
0xc6: {  	[tilespmem:s14], [sflag:$0x1] =	stream.indirect.gather [hbm4b:s2+s8], $0x1, s13, s8, $0xb8;
	[tilespmem:$0x6C80] =	vst v63  }
0xc7: {  	_ =	swait.ge [sflag:s7], $0x680  }
0xc8: {  	[sflag:s7] =	ssyncset.done $0x0  }
0xc9: {  	[sflag:s7] =	ssyncadd.s32 $0xFFFFF980  }
0xca: {  	_ =	swait.ge [sflag:s7], $0x680  }
0xcb: {  	[sflag:s7] =	ssyncset.done $0x0  }
0xcc: {  	[sflag:s7] =	ssyncadd.s32 $0xFFFFF980  }
0xcd: {  	_ =	swait.ge [sflag:s7], $0x680  }
0xce: {  	[sflag:s7] =	ssyncset.done $0x0  }
0xcf: {  	[sflag:s7] =	ssyncadd.s32 $0xFFFFF980  }
0xd0: {  	_ =	swait.ge [sflag:s7], $0x680  }
0xd1: {  	[sflag:s7] =	ssyncset.done $0x0  }
0xd2: {  	[sflag:s7] =	ssyncadd.s32 $0xFFFFF980  }
0xd3: {  	_ =	swait.ge [sflag:s7], $0x680  }
0xd4: {  	[sflag:s7] =	ssyncset.done $0x0  }
0xd5: {  	[sflag:s7] =	ssyncadd.s32 $0xFFFFF980  }
0xd6: {  	_ =	swait.ge [sflag:s7], $0x680  }
0xd7: {  	[sflag:s7] =	ssyncset.done $0x0  }
0xd8: {  	[sflag:s7] =	ssyncadd.s32 $0xFFFFF980  }
0xd9: {  	_ =	swait.ge [sflag:s7], $0x680  }
0xda: {  	[sflag:s7] =	ssyncset.done $0x0  }
0xdb: {  	[sflag:s7] =	ssyncadd.s32 $0xFFFFF980  }
0xdc: {  	_ =	swait.ge [sflag:s7], $0x680  }
0xdd: {  	[sflag:s7] =	ssyncset.done $0x0  }
0xde: {  	[sflag:s7] =	ssyncadd.s32 $0xFFFFF980  }
0xdf: {  	v0 =	vld [tilespmem:$0x6A00]  }
0xe0: {  	v1 =	vld [tilespmem:s11+$0x0]  }
0xe1: {  	s10 =	sand.u32 $0x1F0, s10;
	v2 =	vld [tilespmem:$0x6800]  }
0xe2: {  	v3 =	vld [tilespmem:s10+$0x3600]  }
0xe3: {  	v33 =	vld [tilespmem:$0x6810]  }
0xe4: {  	v34 =	vld [tilespmem:s10+$0x3800]  }
0xe5: {  	v6 =	vld [tilespmem:$0x6820]  }
0xe6: {  	v7 =	vld [tilespmem:$0x6830];
	v1 =	vmul.f32 v2, v1  }
0xe7: {  	v2 =	vld [tilespmem:s10+$0x3A00]  }
0xe8: {  	v35 =	vld [tilespmem:$0x6840];
	v0 =	vadd.f32 v1, v0;
	v1 =	vmul.f32 v33, v3  }
0xe9: {  	v3 =	vld [tilespmem:s10+$0x3C00]  }
0xea: {  	v36 =	vld [tilespmem:s10+$0x3E00];
	v0 =	vadd.f32 v1, v0;
	v1 =	vmul.f32 v6, v34  }
0xeb: {  	v37 =	vld [tilespmem:$0x6850]  }
0xec: {  	v38 =	vld [tilespmem:$0x6860];
	v0 =	vadd.f32 v1, v0;
	v1 =	vmul.f32 v7, v2  }
0xed: {  	v2 =	vld [tilespmem:s10+$0x4000]  }
0xee: {  	v39 =	vld [tilespmem:$0x6870];
	v0 =	vadd.f32 v1, v0;
	v1 =	vmul.f32 v35, v3  }
0xef: {  	v3 =	vld [tilespmem:s10+$0x4200]  }
0xf0: {  	v40 =	vld [tilespmem:s10+$0x4400];
	v0 =	vadd.f32 v1, v0;
	v1 =	vmul.f32 v37, v36  }
0xf1: {  	v41 =	vld [tilespmem:$0x6880]  }
0xf2: {  	v42 =	vld [tilespmem:$0x6890];
	v0 =	vadd.f32 v1, v0;
	v1 =	vmul.f32 v38, v2  }
0xf3: {  	v2 =	vld [tilespmem:s10+$0x4600]  }
0xf4: {  	v43 =	vld [tilespmem:$0x68A0];
	v0 =	vadd.f32 v1, v0;
	v1 =	vmul.f32 v39, v3  }
0xf5: {  	v3 =	vld [tilespmem:s10+$0x4800]  }
0xf6: {  	v44 =	vld [tilespmem:s10+$0x4A00];
	v0 =	vadd.f32 v1, v0;
	v1 =	vmul.f32 v41, v40  }
0xf7: {  	v45 =	vld [tilespmem:$0x68B0]  }
0xf8: {  	v46 =	vld [tilespmem:$0x68C0];
	v0 =	vadd.f32 v1, v0;
	v1 =	vmul.f32 v42, v2  }
0xf9: {  	v2 =	vld [tilespmem:s10+$0x4C00]  }
0xfa: {  	v47 =	vld [tilespmem:$0x68D0];
	v0 =	vadd.f32 v1, v0;
	v1 =	vmul.f32 v43, v3  }
0xfb: {  	v3 =	vld [tilespmem:s10+$0x4E00]  }
0xfc: {  	v48 =	vld [tilespmem:s10+$0x5000];
	v0 =	vadd.f32 v1, v0;
	v1 =	vmul.f32 v45, v44  }
0xfd: {  	v49 =	vld [tilespmem:$0x68E0]  }
0xfe: {  	v50 =	vld [tilespmem:$0x68F0];
	v0 =	vadd.f32 v1, v0;
	v1 =	vmul.f32 v46, v2  }
0xff: {  	v2 =	vld [tilespmem:s10+$0x5200]  }
0x100: {  	v51 =	vld [tilespmem:$0x6900];
	v0 =	vadd.f32 v1, v0;
	v1 =	vmul.f32 v47, v3  }
0x101: {  	v3 =	vld [tilespmem:s10+$0x5400]  }
0x102: {  	v52 =	vld [tilespmem:s10+$0x5600];
	v0 =	vadd.f32 v1, v0;
	v1 =	vmul.f32 v49, v48  }
0x103: {  	v53 =	vld [tilespmem:$0x6910]  }
0x104: {  	v54 =	vld [tilespmem:$0x6920];
	v0 =	vadd.f32 v1, v0;
	v1 =	vmul.f32 v50, v2  }
0x105: {  	v2 =	vld [tilespmem:s10+$0x5800]  }
0x106: {  	v55 =	vld [tilespmem:$0x6930];
	v0 =	vadd.f32 v1, v0;
	v1 =	vmul.f32 v51, v3  }
0x107: {  	v3 =	vld [tilespmem:s10+$0x5A00]  }
0x108: {  	v56 =	vld [tilespmem:s10+$0x5C00];
	v0 =	vadd.f32 v1, v0;
	v1 =	vmul.f32 v53, v52  }
0x109: {  	v57 =	vld [tilespmem:$0x6940]  }
0x10a: {  	v58 =	vld [tilespmem:$0x6950];
	v0 =	vadd.f32 v1, v0;
	v1 =	vmul.f32 v54, v2  }
0x10b: {  	v2 =	vld [tilespmem:s10+$0x5E00]  }
0x10c: {  	v59 =	vld [tilespmem:$0x6960];
	v0 =	vadd.f32 v1, v0;
	v1 =	vmul.f32 v55, v3  }
0x10d: {  	v3 =	vld [tilespmem:s10+$0x6000]  }
0x10e: {  	v60 =	vld [tilespmem:s10+$0x6200];
	v0 =	vadd.f32 v1, v0;
	v1 =	vmul.f32 v57, v56  }
0x10f: {  	v61 =	vld [tilespmem:$0x6970]  }
0x110: {  	v62 =	vld [tilespmem:$0x6980];
	v0 =	vadd.f32 v1, v0;
	v1 =	vmul.f32 v58, v2  }
0x111: {  	v2 =	vld [tilespmem:s10+$0x6400]  }
0x112: {  	v63 =	vld [tilespmem:$0x6990];
	v0 =	vadd.f32 v1, v0;
	v1 =	vmul.f32 v59, v3  }
0x113: {  	v3 =	vld [tilespmem:s10+$0x6600]  }
0x114: {  	v0 =	vadd.f32 v1, v0;
	v1 =	vmul.f32 v61, v60;
	_ =	sdelay $0x1  }
0x115: {  	v0 =	vadd.f32 v1, v0;
	v1 =	vmul.f32 v62, v2;
	_ =	sdelay $0x1  }
0x116: {  	v0 =	vadd.f32 v1, v0;
	v1 =	vmul.f32 v63, v3;
	_ =	sdelay $0x1  }
0x117: {  	v0 =	vadd.f32 v1, v0;
	_ =	sdelay $0x1  }
0x118: {  	v0 =	vsub.f32 $0.0e+00, v0;
	_ =	sdelay $0x1  }
0x119: {  	v0 =	vmul.f32 $1.442695020e+00, v0;
	_ =	sdelay $0x1  }
0x11a: {  	(erf) = vpow2.f32 v0;
	_ =	sdelay $0x8  }
0x11b: {  	v0 =	vpop (erf)  }
0x11c: {  	v0 =	vadd.f32 $1.000000000e+00, v0;
	_ =	sdelay $0x1  }
0x11d: {  	(erf) = vrcp.f32 v0;
	_ =	sdelay $0x8  }
0x11e: {  	s10 =	simm.s32 $0x6A80;
	v0 =	vpop (erf)  }
0x11f: {  	[tilespmem:s10+$0x0] =	vst v0  }
0x120: {  	s12 =	simm.s32 $0x3410;
	v0 =	vld [tilespmem:$0x6A00]  }
0x121: {  	s14 =	simm.s32 $0x10;
	v1 =	vld [tilespmem:s12+$0x0]  }
0x122: {  	s13 =	simm.s32 $0x20;
	s11 =	sand.u32 $0x1F0, s14;
	v2 =	vld [tilespmem:$0x6800]  }
.LBB2_4:
0x123: {  	p0 =	sne.s32 s13, $0x1F0;
	v3 =	vld [tilespmem:s11+$0x3600]  }
0x124: {  	v4 =	vld [tilespmem:$0x6810]  }
0x125: {  	v5 =	vld [tilespmem:s11+$0x3800]  }
0x126: {  	v6 =	vld [tilespmem:$0x6820]  }
0x127: {  	v1 =	vmul.f32 v2, v1;
	v2 =	vld [tilespmem:s11+$0x3A00]  }
0x128: {  	v7 =	vld [tilespmem:$0x6830]  }
0x129: {  	v0 =	vadd.f32 v1, v0;
	v1 =	vmul.f32 v4, v3;
	v3 =	vld [tilespmem:s11+$0x3C00]  }
0x12a: {  	v4 =	vld [tilespmem:$0x6840]  }
0x12b: {  	v0 =	vadd.f32 v1, v0;
	v1 =	vmul.f32 v6, v5;
	v5 =	vld [tilespmem:s11+$0x3E00]  }
0x12c: {  	v6 =	vld [tilespmem:$0x6850]  }
0x12d: {  	v0 =	vadd.f32 v1, v0;
	v1 =	vmul.f32 v7, v2;
	v2 =	vld [tilespmem:s11+$0x4000]  }
0x12e: {  	v7 =	vld [tilespmem:$0x6860]  }
0x12f: {  	v0 =	vadd.f32 v1, v0;
	v1 =	vmul.f32 v4, v3;
	v3 =	vld [tilespmem:s11+$0x4200]  }
0x130: {  	v4 =	vld [tilespmem:$0x6870]  }
0x131: {  	v0 =	vadd.f32 v1, v0;
	v1 =	vmul.f32 v6, v5;
	v5 =	vld [tilespmem:s11+$0x4400]  }
0x132: {  	v6 =	vld [tilespmem:$0x6880]  }
0x133: {  	v0 =	vadd.f32 v1, v0;
	v1 =	vmul.f32 v7, v2;
	v2 =	vld [tilespmem:s11+$0x4600]  }
0x134: {  	v7 =	vld [tilespmem:$0x6890]  }
0x135: {  	v0 =	vadd.f32 v1, v0;
	v1 =	vmul.f32 v4, v3;
	v3 =	vld [tilespmem:s11+$0x4800]  }
0x136: {  	v4 =	vld [tilespmem:$0x68A0]  }
0x137: {  	v0 =	vadd.f32 v1, v0;
	v1 =	vmul.f32 v6, v5;
	v5 =	vld [tilespmem:s11+$0x4A00]  }
0x138: {  	v6 =	vld [tilespmem:$0x68B0]  }
0x139: {  	v0 =	vadd.f32 v1, v0;
	v1 =	vmul.f32 v7, v2;
	v2 =	vld [tilespmem:s11+$0x4C00]  }
0x13a: {  	v7 =	vld [tilespmem:$0x68C0]  }
0x13b: {  	v0 =	vadd.f32 v1, v0;
	v1 =	vmul.f32 v4, v3;
	v3 =	vld [tilespmem:s11+$0x4E00]  }
0x13c: {  	v4 =	vld [tilespmem:$0x68D0]  }
0x13d: {  	v0 =	vadd.f32 v1, v0;
	v1 =	vmul.f32 v6, v5;
	v5 =	vld [tilespmem:s11+$0x5000]  }
0x13e: {  	v6 =	vld [tilespmem:$0x68E0]  }
0x13f: {  	v0 =	vadd.f32 v1, v0;
	v1 =	vmul.f32 v7, v2;
	v2 =	vld [tilespmem:s11+$0x5200]  }
0x140: {  	v7 =	vld [tilespmem:$0x68F0]  }
0x141: {  	v0 =	vadd.f32 v1, v0;
	v1 =	vmul.f32 v4, v3;
	v3 =	vld [tilespmem:s11+$0x5400]  }
0x142: {  	v4 =	vld [tilespmem:$0x6900]  }
0x143: {  	v0 =	vadd.f32 v1, v0;
	v1 =	vmul.f32 v6, v5;
	v5 =	vld [tilespmem:s11+$0x5600]  }
0x144: {  	v6 =	vld [tilespmem:$0x6910]  }
0x145: {  	v0 =	vadd.f32 v1, v0;
	v1 =	vmul.f32 v7, v2;
	v2 =	vld [tilespmem:s11+$0x5800]  }
0x146: {  	v7 =	vld [tilespmem:$0x6920]  }
0x147: {  	v0 =	vadd.f32 v1, v0;
	v1 =	vmul.f32 v4, v3;
	v3 =	vld [tilespmem:s11+$0x5A00]  }
0x148: {  	v4 =	vld [tilespmem:$0x6930]  }
0x149: {  	v0 =	vadd.f32 v1, v0;
	v1 =	vmul.f32 v6, v5;
	v5 =	vld [tilespmem:s11+$0x5C00]  }
0x14a: {  	v6 =	vld [tilespmem:$0x6940]  }
0x14b: {  	v0 =	vadd.f32 v1, v0;
	v1 =	vmul.f32 v7, v2;
	v2 =	vld [tilespmem:s11+$0x5E00]  }
0x14c: {  	v7 =	vld [tilespmem:$0x6950]  }
0x14d: {  	v0 =	vadd.f32 v1, v0;
	v1 =	vmul.f32 v4, v3;
	v3 =	vld [tilespmem:s11+$0x6000]  }
0x14e: {  	v4 =	vld [tilespmem:$0x6960]  }
0x14f: {  	v0 =	vadd.f32 v1, v0;
	v1 =	vmul.f32 v6, v5;
	v5 =	vld [tilespmem:s11+$0x6200]  }
0x150: {  	v6 =	vld [tilespmem:$0x6970]  }
0x151: {  	v0 =	vadd.f32 v1, v0;
	v1 =	vmul.f32 v7, v2;
	v2 =	vld [tilespmem:s11+$0x6400]  }
0x152: {  	v7 =	vld [tilespmem:$0x6980]  }
0x153: {  	v0 =	vadd.f32 v1, v0;
	v1 =	vmul.f32 v4, v3;
	v3 =	vld [tilespmem:s11+$0x6600]  }
0x154: {  	v4 =	vld [tilespmem:$0x6990]  }
0x155: {  	v0 =	vadd.f32 v1, v0;
	v1 =	vmul.f32 v6, v5;
	_ =	sdelay $0x1  }
0x156: {  	v0 =	vadd.f32 v1, v0;
	v1 =	vmul.f32 v7, v2;
	_ =	sdelay $0x1  }
0x157: {  	v0 =	vadd.f32 v1, v0;
	v1 =	vmul.f32 v4, v3;
	_ =	sdelay $0x1  }
0x158: {  	v0 =	vadd.f32 v1, v0;
	_ =	sdelay $0x1  }
0x159: {  	v0 =	vsub.f32 $0.0e+00, v0;
	_ =	sdelay $0x1  }
0x15a: {  	v0 =	vmul.f32 $1.442695020e+00, v0;
	_ =	sdelay $0x1  }
0x15b: {  	(erf) = vpow2.f32 v0;
	_ =	sdelay $0x8  }
0x15c: {  	v0 =	vpop (erf)  }
0x15d: {  	v0 =	vadd.f32 $1.000000000e+00, v0;
	_ =	sdelay $0x1  }
0x15e: {  	(erf) = vrcp.f32 v0;
	_ =	sdelay $0x8  }
.Ltmp1:
0x15f: {  	s10 =	sadd.s32 $0x10, s10;
	v0 =	vpop (erf);
	(pc) =	sbr.rel @p0 .LBB2_4-.Ltmp1, $4  }
0x160: {  	[tilespmem:s10+$0x0] =	vst v0  }
0x161: {  	s12 =	sadd.s32 $0x10, s12;
	v0 =	vld [tilespmem:$0x6A00]  }
0x162: {  	v1 =	vld [tilespmem:s12+$0x0]  }
0x163: {  	s11 =	sand.u32 $0x1F0, s13;
	s13 =	sadd.s32 $0x10, s13;
	v2 =	vld [tilespmem:$0x6800]  }
0x164: {  	v3 =	vld [tilespmem:s11+$0x3600]  }
0x165: {  	v4 =	vld [tilespmem:$0x6810]  }
0x166: {  	v5 =	vld [tilespmem:s11+$0x3800]  }
0x167: {  	v6 =	vld [tilespmem:$0x6820]  }
0x168: {  	v49 =	vld [tilespmem:s11+$0x3A00];
	v1 =	vmul.f32 v2, v1  }
0x169: {  	v7 =	vld [tilespmem:$0x6830]  }
0x16a: {  	v51 =	vld [tilespmem:s11+$0x3C00];
	v50 =	vmul.f32 v4, v3;
	v0 =	vadd.f32 v1, v0  }
0x16b: {  	v52 =	vld [tilespmem:$0x6840]  }
0x16c: {  	v54 =	vld [tilespmem:s11+$0x3E00];
	v53 =	vmul.f32 v6, v5;
	v0 =	vadd.f32 v50, v0  }
0x16d: {  	v55 =	vld [tilespmem:$0x6850]  }
0x16e: {  	v57 =	vld [tilespmem:s11+$0x4000];
	v56 =	vmul.f32 v7, v49;
	v0 =	vadd.f32 v53, v0  }
0x16f: {  	v58 =	vld [tilespmem:$0x6860]  }
0x170: {  	v60 =	vld [tilespmem:s11+$0x4200];
	v59 =	vmul.f32 v52, v51;
	v0 =	vadd.f32 v56, v0  }
0x171: {  	v61 =	vld [tilespmem:$0x6870]  }
0x172: {  	v63 =	vld [tilespmem:s11+$0x4400];
	v62 =	vmul.f32 v55, v54;
	v0 =	vadd.f32 v59, v0  }
0x173: {  	v9 =	vld [tilespmem:$0x6880]  }
0x174: {  	v11 =	vld [tilespmem:s11+$0x4600];
	v10 =	vmul.f32 v58, v57;
	v0 =	vadd.f32 v62, v0  }
0x175: {  	v12 =	vld [tilespmem:$0x6890]  }
0x176: {  	v14 =	vld [tilespmem:s11+$0x4800];
	v13 =	vmul.f32 v61, v60;
	v0 =	vadd.f32 v10, v0  }
0x177: {  	v15 =	vld [tilespmem:$0x68A0]  }
0x178: {  	v17 =	vld [tilespmem:s11+$0x4A00];
	v16 =	vmul.f32 v9, v63;
	v0 =	vadd.f32 v13, v0  }
0x179: {  	v18 =	vld [tilespmem:$0x68B0]  }
0x17a: {  	v20 =	vld [tilespmem:s11+$0x4C00];
	v19 =	vmul.f32 v12, v11;
	v0 =	vadd.f32 v16, v0  }
0x17b: {  	v21 =	vld [tilespmem:$0x68C0]  }
0x17c: {  	v23 =	vld [tilespmem:s11+$0x4E00];
	v22 =	vmul.f32 v15, v14;
	v0 =	vadd.f32 v19, v0  }
0x17d: {  	v24 =	vld [tilespmem:$0x68D0]  }
0x17e: {  	v26 =	vld [tilespmem:s11+$0x5000];
	v25 =	vmul.f32 v18, v17;
	v0 =	vadd.f32 v22, v0  }
0x17f: {  	v27 =	vld [tilespmem:$0x68E0]  }
0x180: {  	v29 =	vld [tilespmem:s11+$0x5200];
	v28 =	vmul.f32 v21, v20;
	v0 =	vadd.f32 v25, v0  }
0x181: {  	v30 =	vld [tilespmem:$0x68F0]  }
0x182: {  	v32 =	vld [tilespmem:s11+$0x5400];
	v31 =	vmul.f32 v24, v23;
	v0 =	vadd.f32 v28, v0  }
0x183: {  	v33 =	vld [tilespmem:$0x6900]  }
0x184: {  	v35 =	vld [tilespmem:s11+$0x5600];
	v34 =	vmul.f32 v27, v26;
	v0 =	vadd.f32 v31, v0  }
0x185: {  	v36 =	vld [tilespmem:$0x6910]  }
0x186: {  	v38 =	vld [tilespmem:s11+$0x5800];
	v37 =	vmul.f32 v30, v29;
	v0 =	vadd.f32 v34, v0  }
0x187: {  	v39 =	vld [tilespmem:$0x6920]  }
0x188: {  	v41 =	vld [tilespmem:s11+$0x5A00];
	v40 =	vmul.f32 v33, v32;
	v0 =	vadd.f32 v37, v0  }
0x189: {  	v42 =	vld [tilespmem:$0x6930]  }
0x18a: {  	v44 =	vld [tilespmem:s11+$0x5C00];
	v43 =	vmul.f32 v36, v35;
	v0 =	vadd.f32 v40, v0  }
0x18b: {  	v45 =	vld [tilespmem:$0x6940]  }
0x18c: {  	v47 =	vld [tilespmem:s11+$0x5E00];
	v46 =	vmul.f32 v39, v38;
	v0 =	vadd.f32 v43, v0  }
0x18d: {  	v48 =	vld [tilespmem:$0x6950]  }
0x18e: {  	v49 =	vmul.f32 v42, v41;
	v51 =	vld [tilespmem:$0x6960];
	v0 =	vadd.f32 v46, v0  }
0x18f: {  	v50 =	vld [tilespmem:s11+$0x6000]  }
0x190: {  	v52 =	vmul.f32 v45, v44;
	v54 =	vld [tilespmem:$0x6970];
	v0 =	vadd.f32 v49, v0  }
0x191: {  	v53 =	vld [tilespmem:s11+$0x6200]  }
0x192: {  	v55 =	vmul.f32 v48, v47;
	v57 =	vld [tilespmem:$0x6980];
	v0 =	vadd.f32 v52, v0  }
0x193: {  	v56 =	vld [tilespmem:s11+$0x6400]  }
0x194: {  	v60 =	vld [tilespmem:$0x6990];
	v58 =	vmul.f32 v51, v50;
	v0 =	vadd.f32 v55, v0  }
0x195: {  	v59 =	vld [tilespmem:s11+$0x6600]  }
0x196: {  	v61 =	vmul.f32 v54, v53;
	v0 =	vadd.f32 v58, v0;
	_ =	sdelay $0x1  }
0x197: {  	v62 =	vmul.f32 v57, v56;
	v0 =	vadd.f32 v61, v0;
	_ =	sdelay $0x1  }
0x198: {  	v63 =	vmul.f32 v60, v59;
	v0 =	vadd.f32 v62, v0;
	_ =	sdelay $0x1  }
0x199: {  	v0 =	vadd.f32 v63, v0;
	_ =	sdelay $0x1  }
0x19a: {  	v0 =	vsub.f32 $0.0e+00, v0;
	_ =	sdelay $0x1  }
0x19b: {  	v0 =	vmul.f32 $1.442695020e+00, v0;
	_ =	sdelay $0x1  }
0x19c: {  	(erf) = vpow2.f32 v0;
	_ =	sdelay $0x8  }
0x19d: {  	v0 =	vpop (erf)  }
0x19e: {  	v0 =	vadd.f32 $1.000000000e+00, v0;
	_ =	sdelay $0x1  }
0x19f: {  	(erf) = vrcp.f32 v0;
	_ =	sdelay $0x7  }
0x1a0: {  	s9 =	sadd.s32 $0x1, s9  }
0x1a1: {  	s10 =	sadd.s32 $0x10, s10;
	p0 =	sne.s32 s9, s1;
	v0 =	vpop (erf)  }
.Ltmp2:
0x1a2: {  	s14 =	simm.s32 $0x6A80;
	[tilespmem:s10+$0x0] =	vst v0;
	(pc) =	sbr.rel @p0 .LBB2_1-.Ltmp2, $4  }
0x1a3: {  	[hbm4b:s24+s3] =	stream.linear.scatter [tilespmem:s14], [sflag:$0x2], $0x200, $0x38;
	[tilespmem:$0x6C80] =	vst v63  }
0x1a4: {  	_ =	swait.ge [sflag:s6], $0x200  }
0x1a5: {  	[sflag:s6] =	ssyncset.done $0x0  }
0x1a6: {  	[sflag:s6] =	ssyncadd.s32 $0xFFFFFE00  }
0x1a7: {  	_ =	sfence.sel $0x180000  }
0x1a8: {  	[bflag:$0x0] =	sbarrier.arrive $0xFFFF  }
0x1a9: {  	_ =	strace $0x90000047  }
0x1aa: {  	s0 =	stileid.u32;
	[bflag:$0x2] =	sbarrier.arrive $0xFFFF  }
0x1ab: {  	p0 =	sne.s32 s0, $0x0;
	s0 =	rddreg [dreg:$0x2]  }
0x1ac: {  	s0 =	sadd.s32 @!p0 $0x100000, s0  }
0x1ad: {  	[sflag:s0] =	ssyncadd.tile.s32 @!p0 $0x1;
	_ =	shalt  }
.Lfunc_end2:
_tile_overlayer_lowered:
.L_overlay_start_2:
0x1ae: {  	(tag) =	ssettag $0x2  }
0x1af: {  	s0 =	rddreg [dreg:$0x0];
	s2 =	stileid.u32  }
0x1b0: {  	s1 =	rddreg [dreg:$0x1];
	p0 =	sne.s32 s2, $0x0  }
0x1b1: {  	s3 =	rddreg [dreg:$0x2];
	[bflag:$0x3] =	sbarrier.arrive $0xFFFF;
	s2 =	simm.s32 @!p0 $0x1C02  }
0x1b2: {  	[timem:s3], [sflag:s2] =	dma.local @!p0 [hbm:s0], s1  }
0x1b3: {  	s0 =	simm.s32 @!p0 $0x2  }
0x1b4: {  	_ =	swait.ge @!p0 [sflag:s0], s1  }
0x1b5: {  	s1 =	ssub.s32 @!p0 $0x0, s1;
	[sflag:s0] =	ssyncset.done @!p0 $0x0  }
0x1b6: {  	[sflag:s0] =	ssyncadd.s32 @!p0 s1  }
0x1b7: {  	[bflag:$0x3] =	sbarrier.arrive $0xFFFF  }
0x1b8: {  	_ =	shalt  }

</sc_bundles>
